<compile_context>
chip_gen: v7x
topology: tpu7x:2x2x1
jax: 0.10.2.dev20260603
libtpu: 0.0.44.dev20260713+nightly
codegen_flags: <defaults>
</compile_context>

<pallas_src>
import jax
import jax.numpy as jnp
from jax import lax
from jax.experimental import pallas as pl
from jax.experimental.pallas import tpu as pltpu
from jax.experimental.pallas import tpu_sc as plsc

_SELECTED = (0, 2, 4, 6, 8, 10, 12, 14)
_NW = 32
_WORDS = 1 << 20
_CH = 1 << 16
_NB = 2
_NCH = _WORDS // _CH


def _sc_body(w_hbm, out_hbm, b0, b1, si0, si1, so0, so1):
    c = lax.axis_index("c")
    s = lax.axis_index("s")
    wid = s * 2 + c
    row_out = wid
    row_in = 8 * (wid // 4) + (wid % 4)
    bufs = (b0, b1)
    isems = (si0, si1)
    osems = (so0, so1)

    def in_copy(i):
        b = i % _NB
        return pltpu.make_async_copy(
            w_hbm.at[row_in, pl.ds(i * _CH, _CH)], bufs[b], isems[b])

    def out_copy(i):
        b = i % _NB
        return pltpu.make_async_copy(
            bufs[b], out_hbm.at[row_out, pl.ds(i * _CH, _CH)], osems[b])

    for i in range(_NCH):
        if i >= _NB:
            out_copy(i - _NB).wait()
        in_copy(i).start()
        if i >= 1:
            in_copy(i - 1).wait()
            out_copy(i - 1).start()
    in_copy(_NCH - 1).wait()
    out_copy(_NCH - 1).start()
    for i in range(_NCH - _NB, _NCH):
        out_copy(i).wait()


def kernel(w):
    n_out = len(_SELECTED)
    _, H, W = w.shape
    w2 = w.reshape(16 * 4, _WORDS)
    out = pl.kernel(
        _sc_body,
        out_type=jax.ShapeDtypeStruct((_NW, _WORDS), w.dtype),
        mesh=plsc.VectorSubcoreMesh(core_axis_name="c", subcore_axis_name="s"),
        scratch_types=(
            [pltpu.VMEM((_CH,), jnp.float32)] * _NB
            + [pltpu.SemaphoreType.DMA] * (2 * _NB)
        ),
    )(w2)
    return out.reshape(n_out, H, W)

# --- scband reference (transcript-rebuilt; emitter-appended) ---
"""Pipeline reference for scband-slice-46600395162204 (READ-ONLY COPY).

The authoritative reference and input builder live on the scoring server;
editing this copy changes nothing except your own understanding.
"""

import jax, jax.numpy as jnp
import numpy as np

IDX = jnp.array([0, 2, 4, 6, 8, 10, 12, 14], dtype=jnp.int32)

def setup_inputs(seed: int = 0) -> dict:
    key = jax.random.key(seed)
    w = jax.random.normal(key, (16, 2048, 2048), dtype=jnp.float32)
    return {"w": w}

def reference(w):
    # Faithful translation of Slice.forward: return w[self.idx]
    # idx is a list of ints -> fancy indexing / gather along dim 0
    return jnp.take(w, IDX, axis=0)

if __name__ == "__main__":
    import jax
    _d = setup_inputs()
    print(jax.jit(kernel)(*tuple(_d.values())))

</pallas_src>

<mosaic_0001>
#map = affine_map<(d0, d1) -> (0, 0)>
module attributes {stable_mosaic.version = 14 : i64} {
  func.func @_sc_body(%arg0: i32, %arg1: i32, %arg2: memref<64x1048576xf32, #tpu.memory_space<hbm>>, %arg3: memref<32x1048576xf32, #tpu.memory_space<hbm>>, %arg4: memref<65536xf32, #tpu.memory_space<vmem>>, %arg5: memref<65536xf32, #tpu.memory_space<vmem>>, %arg6: memref<!tpu.dma_semaphore, #tpu.memory_space<semaphore_mem>>, %arg7: memref<!tpu.dma_semaphore, #tpu.memory_space<semaphore_mem>>, %arg8: memref<!tpu.dma_semaphore, #tpu.memory_space<semaphore_mem>>, %arg9: memref<!tpu.dma_semaphore, #tpu.memory_space<semaphore_mem>>) attributes {dimension_semantics = [#tpu.dimension_semantics<core_parallel>, #tpu.dimension_semantics<subcore_parallel>], iteration_bounds = array<i64: 2, 16>, scalar_prefetch = 0 : i64, scratch_operands = 6 : i64, tpu.core_type = #tpu.core_type<sc_vector_subcore>, window_params = [{transform_indices = #map}, {transform_indices = #map}]} {
    %mul3A = arith.constant 2 : i32
    %mul3A_0 = arith.muli %arg1, %mul3A : i32
    %add3A = arith.addi %mul3A_0, %arg0 : i32
    %jit3A = arith.constant 4 : i32
    %div3A = arith.divsi %add3A, %jit3A : i32
    %sign3A = arith.constant 0 : i32
    %sign3A_1 = arith.cmpi sgt, %add3A, %sign3A : i32
    %sign3A_2 = arith.extui %sign3A_1 : i1 to i32
    %sign3A_3 = arith.constant 0 : i32
    %sign3A_4 = arith.cmpi slt, %add3A, %sign3A_3 : i32
    %sign3A_5 = arith.extui %sign3A_4 : i1 to i32
    %sign3A_6 = arith.subi %sign3A_2, %sign3A_5 : i32
    %sign3A_7 = arith.constant 0 : i32
    %sign3A_8 = arith.cmpi sgt, %jit3A, %sign3A_7 : i32
    %sign3A_9 = arith.extui %sign3A_8 : i1 to i32
    %sign3A_10 = arith.constant 0 : i32
    %sign3A_11 = arith.cmpi slt, %jit3A, %sign3A_10 : i32
    %sign3A_12 = arith.extui %sign3A_11 : i1 to i32
    %sign3A_13 = arith.subi %sign3A_9, %sign3A_12 : i32
    %ne3A = arith.cmpi ne, %sign3A_6, %sign3A_13 : i32
    %rem3A = arith.remsi %add3A, %jit3A : i32
    %ne3A_14 = arith.constant 0 : i32
    %ne3A_15 = arith.cmpi ne, %rem3A, %ne3A_14 : i32
    %and3A = arith.andi %ne3A, %ne3A_15 : i1
    %sub3A = arith.constant 1 : i32
    %sub3A_16 = arith.subi %div3A, %sub3A : i32
    %select_n3A = arith.select %and3A, %sub3A_16, %div3A : i32
    %mul3A_17 = arith.constant 8 : i32
    %mul3A_18 = arith.muli %mul3A_17, %select_n3A : i32
    %jit3A_19 = arith.constant 4 : i32
    %eq3A = arith.constant 0 : i32
    %eq3A_20 = arith.cmpi eq, %jit3A_19, %eq3A : i32
    %jit3A_21 = arith.constant 1 : i32
    %select_n3A_22 = arith.select %eq3A_20, %jit3A_21, %jit3A_19 : i32
    %rem3A_23 = arith.remsi %add3A, %select_n3A_22 : i32
    %ne3A_24 = arith.constant 0 : i32
    %ne3A_25 = arith.cmpi ne, %rem3A_23, %ne3A_24 : i32
    %lt3A = arith.constant 0 : i32
    %lt3A_26 = arith.cmpi slt, %rem3A_23, %lt3A : i32
    %lt3A_27 = arith.constant 0 : i32
    %lt3A_28 = arith.cmpi slt, %select_n3A_22, %lt3A_27 : i32
    %ne3A_29 = arith.xori %lt3A_26, %lt3A_28 : i1
    %and3A_30 = arith.andi %ne3A_29, %ne3A_25 : i1
    %add3A_31 = arith.addi %rem3A_23, %select_n3A_22 : i32
    %select_n3A_32 = arith.select %and3A_30, %add3A_31, %rem3A_23 : i32
    %add3A_33 = arith.addi %mul3A_18, %select_n3A_32 : i32
    %dma_start3A = arith.constant 0 : i32
    %dma_start3A_34 = tpu.memref_slice %arg2[%add3A_33, %dma_start3A] : memref<64x1048576xf32, #tpu.memory_space<hbm>> -> memref<1x65536xf32, #tpu.memory_space<hbm>>
    %dma_start3A_35 = tpu.memref_squeeze %dma_start3A_34 : memref<1x65536xf32, #tpu.memory_space<hbm>> -> memref<65536xf32, #tpu.memory_space<hbm>>
    %dma_start3A_36 = arith.constant 0 : i32
    %dma_start3A_37 = tpu.memref_slice %arg2[%add3A_33, %dma_start3A_36] : memref<64x1048576xf32, #tpu.memory_space<hbm>> -> memref<1x65536xf32, #tpu.memory_space<hbm>>
    %dma_start3A_38 = tpu.memref_squeeze %dma_start3A_37 : memref<1x65536xf32, #tpu.memory_space<hbm>> -> memref<65536xf32, #tpu.memory_space<hbm>>
    tpu.enqueue_dma source(%dma_start3A_38 : memref<65536xf32, #tpu.memory_space<hbm>>) target(%arg4 : memref<65536xf32, #tpu.memory_space<vmem>>) target_semaphore(%arg6 : memref<!tpu.dma_semaphore, #tpu.memory_space<semaphore_mem>>)
    %dma_start3A_39 = arith.constant 65536 : i32
    %dma_start3A_40 = tpu.memref_slice %arg2[%add3A_33, %dma_start3A_39] : memref<64x1048576xf32, #tpu.memory_space<hbm>> -> memref<1x65536xf32, #tpu.memory_space<hbm>>
    %dma_start3A_41 = tpu.memref_squeeze %dma_start3A_40 : memref<1x65536xf32, #tpu.memory_space<hbm>> -> memref<65536xf32, #tpu.memory_space<hbm>>
    %dma_start3A_42 = arith.constant 65536 : i32
    %dma_start3A_43 = tpu.memref_slice %arg2[%add3A_33, %dma_start3A_42] : memref<64x1048576xf32, #tpu.memory_space<hbm>> -> memref<1x65536xf32, #tpu.memory_space<hbm>>
    %dma_start3A_44 = tpu.memref_squeeze %dma_start3A_43 : memref<1x65536xf32, #tpu.memory_space<hbm>> -> memref<65536xf32, #tpu.memory_space<hbm>>
    tpu.enqueue_dma source(%dma_start3A_44 : memref<65536xf32, #tpu.memory_space<hbm>>) target(%arg5 : memref<65536xf32, #tpu.memory_space<vmem>>) target_semaphore(%arg7 : memref<!tpu.dma_semaphore, #tpu.memory_space<semaphore_mem>>)
    %dma_wait3A = arith.constant 0 : i32
    %dma_wait3A_45 = tpu.memref_slice %arg2[%add3A_33, %dma_wait3A] : memref<64x1048576xf32, #tpu.memory_space<hbm>> -> memref<1x65536xf32, #tpu.memory_space<hbm>>
    %dma_wait3A_46 = tpu.memref_squeeze %dma_wait3A_45 : memref<1x65536xf32, #tpu.memory_space<hbm>> -> memref<65536xf32, #tpu.memory_space<hbm>>
    %dma_wait3A_47 = arith.constant 0 : i32
    %dma_wait3A_48 = tpu.memref_slice %arg2[%add3A_33, %dma_wait3A_47] : memref<64x1048576xf32, #tpu.memory_space<hbm>> -> memref<1x65536xf32, #tpu.memory_space<hbm>>
    %dma_wait3A_49 = tpu.memref_squeeze %dma_wait3A_48 : memref<1x65536xf32, #tpu.memory_space<hbm>> -> memref<65536xf32, #tpu.memory_space<hbm>>
    tpu.wait_dma2 semaphore(%arg6 : memref<!tpu.dma_semaphore, #tpu.memory_space<semaphore_mem>>) src(%dma_wait3A_49 : memref<65536xf32, #tpu.memory_space<hbm>>) dst(%arg4 : memref<65536xf32, #tpu.memory_space<vmem>>)
    %dma_start3A_50 = arith.constant 0 : i32
    %dma_start3A_51 = tpu.memref_slice %arg3[%add3A, %dma_start3A_50] : memref<32x1048576xf32, #tpu.memory_space<hbm>> -> memref<1x65536xf32, #tpu.memory_space<hbm>>
    %dma_start3A_52 = tpu.memref_squeeze %dma_start3A_51 : memref<1x65536xf32, #tpu.memory_space<hbm>> -> memref<65536xf32, #tpu.memory_space<hbm>>
    %dma_start3A_53 = arith.constant 0 : i32
    %dma_start3A_54 = tpu.memref_slice %arg3[%add3A, %dma_start3A_53] : memref<32x1048576xf32, #tpu.memory_space<hbm>> -> memref<1x65536xf32, #tpu.memory_space<hbm>>
    %dma_start3A_55 = tpu.memref_squeeze %dma_start3A_54 : memref<1x65536xf32, #tpu.memory_space<hbm>> -> memref<65536xf32, #tpu.memory_space<hbm>>
    tpu.enqueue_dma source(%arg4 : memref<65536xf32, #tpu.memory_space<vmem>>) target(%dma_start3A_55 : memref<65536xf32, #tpu.memory_space<hbm>>) target_semaphore(%arg8 : memref<!tpu.dma_semaphore, #tpu.memory_space<semaphore_mem>>)
    %dma_wait3A_56 = arith.constant 0 : i32
    %dma_wait3A_57 = tpu.memref_slice %arg3[%add3A, %dma_wait3A_56] : memref<32x1048576xf32, #tpu.memory_space<hbm>> -> memref<1x65536xf32, #tpu.memory_space<hbm>>
    %dma_wait3A_58 = tpu.memref_squeeze %dma_wait3A_57 : memref<1x65536xf32, #tpu.memory_space<hbm>> -> memref<65536xf32, #tpu.memory_space<hbm>>
    %dma_wait3A_59 = arith.constant 0 : i32
    %dma_wait3A_60 = tpu.memref_slice %arg3[%add3A, %dma_wait3A_59] : memref<32x1048576xf32, #tpu.memory_space<hbm>> -> memref<1x65536xf32, #tpu.memory_space<hbm>>
    %dma_wait3A_61 = tpu.memref_squeeze %dma_wait3A_60 : memref<1x65536xf32, #tpu.memory_space<hbm>> -> memref<65536xf32, #tpu.memory_space<hbm>>
    tpu.wait_dma2 semaphore(%arg8 : memref<!tpu.dma_semaphore, #tpu.memory_space<semaphore_mem>>) src(%arg4 : memref<65536xf32, #tpu.memory_space<vmem>>) dst(%dma_wait3A_61 : memref<65536xf32, #tpu.memory_space<hbm>>)
    %dma_start3A_62 = arith.constant 131072 : i32
    %dma_start3A_63 = tpu.memref_slice %arg2[%add3A_33, %dma_start3A_62] : memref<64x1048576xf32, #tpu.memory_space<hbm>> -> memref<1x65536xf32, #tpu.memory_space<hbm>>
    %dma_start3A_64 = tpu.memref_squeeze %dma_start3A_63 : memref<1x65536xf32, #tpu.memory_space<hbm>> -> memref<65536xf32, #tpu.memory_space<hbm>>
    %dma_start3A_65 = arith.constant 131072 : i32
    %dma_start3A_66 = tpu.memref_slice %arg2[%add3A_33, %dma_start3A_65] : memref<64x1048576xf32, #tpu.memory_space<hbm>> -> memref<1x65536xf32, #tpu.memory_space<hbm>>
    %dma_start3A_67 = tpu.memref_squeeze %dma_start3A_66 : memref<1x65536xf32, #tpu.memory_space<hbm>> -> memref<65536xf32, #tpu.memory_space<hbm>>
    tpu.enqueue_dma source(%dma_start3A_67 : memref<65536xf32, #tpu.memory_space<hbm>>) target(%arg4 : memref<65536xf32, #tpu.memory_space<vmem>>) target_semaphore(%arg6 : memref<!tpu.dma_semaphore, #tpu.memory_space<semaphore_mem>>)
    %dma_wait3A_68 = arith.constant 65536 : i32
    %dma_wait3A_69 = tpu.memref_slice %arg2[%add3A_33, %dma_wait3A_68] : memref<64x1048576xf32, #tpu.memory_space<hbm>> -> memref<1x65536xf32, #tpu.memory_space<hbm>>
    %dma_wait3A_70 = tpu.memref_squeeze %dma_wait3A_69 : memref<1x65536xf32, #tpu.memory_space<hbm>> -> memref<65536xf32, #tpu.memory_space<hbm>>
    %dma_wait3A_71 = arith.constant 65536 : i32
    %dma_wait3A_72 = tpu.memref_slice %arg2[%add3A_33, %dma_wait3A_71] : memref<64x1048576xf32, #tpu.memory_space<hbm>> -> memref<1x65536xf32, #tpu.memory_space<hbm>>
    %dma_wait3A_73 = tpu.memref_squeeze %dma_wait3A_72 : memref<1x65536xf32, #tpu.memory_space<hbm>> -> memref<65536xf32, #tpu.memory_space<hbm>>
    tpu.wait_dma2 semaphore(%arg7 : memref<!tpu.dma_semaphore, #tpu.memory_space<semaphore_mem>>) src(%dma_wait3A_73 : memref<65536xf32, #tpu.memory_space<hbm>>) dst(%arg5 : memref<65536xf32, #tpu.memory_space<vmem>>)
    %dma_start3A_74 = arith.constant 65536 : i32
    %dma_start3A_75 = tpu.memref_slice %arg3[%add3A, %dma_start3A_74] : memref<32x1048576xf32, #tpu.memory_space<hbm>> -> memref<1x65536xf32, #tpu.memory_space<hbm>>
    %dma_start3A_76 = tpu.memref_squeeze %dma_start3A_75 : memref<1x65536xf32, #tpu.memory_space<hbm>> -> memref<65536xf32, #tpu.memory_space<hbm>>
    %dma_start3A_77 = arith.constant 65536 : i32
    %dma_start3A_78 = tpu.memref_slice %arg3[%add3A, %dma_start3A_77] : memref<32x1048576xf32, #tpu.memory_space<hbm>> -> memref<1x65536xf32, #tpu.memory_space<hbm>>
    %dma_start3A_79 = tpu.memref_squeeze %dma_start3A_78 : memref<1x65536xf32, #tpu.memory_space<hbm>> -> memref<65536xf32, #tpu.memory_space<hbm>>
    tpu.enqueue_dma source(%arg5 : memref<65536xf32, #tpu.memory_space<vmem>>) target(%dma_start3A_79 : memref<65536xf32, #tpu.memory_space<hbm>>) target_semaphore(%arg9 : memref<!tpu.dma_semaphore, #tpu.memory_space<semaphore_mem>>)
    %dma_wait3A_80 = arith.constant 65536 : i32
    %dma_wait3A_81 = tpu.memref_slice %arg3[%add3A, %dma_wait3A_80] : memref<32x1048576xf32, #tpu.memory_space<hbm>> -> memref<1x65536xf32, #tpu.memory_space<hbm>>
    %dma_wait3A_82 = tpu.memref_squeeze %dma_wait3A_81 : memref<1x65536xf32, #tpu.memory_space<hbm>> -> memref<65536xf32, #tpu.memory_space<hbm>>
    %dma_wait3A_83 = arith.constant 65536 : i32
    %dma_wait3A_84 = tpu.memref_slice %arg3[%add3A, %dma_wait3A_83] : memref<32x1048576xf32, #tpu.memory_space<hbm>> -> memref<1x65536xf32, #tpu.memory_space<hbm>>
    %dma_wait3A_85 = tpu.memref_squeeze %dma_wait3A_84 : memref<1x65536xf32, #tpu.memory_space<hbm>> -> memref<65536xf32, #tpu.memory_space<hbm>>
    tpu.wait_dma2 semaphore(%arg9 : memref<!tpu.dma_semaphore, #tpu.memory_space<semaphore_mem>>) src(%arg5 : memref<65536xf32, #tpu.memory_space<vmem>>) dst(%dma_wait3A_85 : memref<65536xf32, #tpu.memory_space<hbm>>)
    %dma_start3A_86 = arith.constant 196608 : i32
    %dma_start3A_87 = tpu.memref_slice %arg2[%add3A_33, %dma_start3A_86] : memref<64x1048576xf32, #tpu.memory_space<hbm>> -> memref<1x65536xf32, #tpu.memory_space<hbm>>
    %dma_start3A_88 = tpu.memref_squeeze %dma_start3A_87 : memref<1x65536xf32, #tpu.memory_space<hbm>> -> memref<65536xf32, #tpu.memory_space<hbm>>
    %dma_start3A_89 = arith.constant 196608 : i32
    %dma_start3A_90 = tpu.memref_slice %arg2[%add3A_33, %dma_start3A_89] : memref<64x1048576xf32, #tpu.memory_space<hbm>> -> memref<1x65536xf32, #tpu.memory_space<hbm>>
    %dma_start3A_91 = tpu.memref_squeeze %dma_start3A_90 : memref<1x65536xf32, #tpu.memory_space<hbm>> -> memref<65536xf32, #tpu.memory_space<hbm>>
    tpu.enqueue_dma source(%dma_start3A_91 : memref<65536xf32, #tpu.memory_space<hbm>>) target(%arg5 : memref<65536xf32, #tpu.memory_space<vmem>>) target_semaphore(%arg7 : memref<!tpu.dma_semaphore, #tpu.memory_space<semaphore_mem>>)
    %dma_wait3A_92 = arith.constant 131072 : i32
    %dma_wait3A_93 = tpu.memref_slice %arg2[%add3A_33, %dma_wait3A_92] : memref<64x1048576xf32, #tpu.memory_space<hbm>> -> memref<1x65536xf32, #tpu.memory_space<hbm>>
    %dma_wait3A_94 = tpu.memref_squeeze %dma_wait3A_93 : memref<1x65536xf32, #tpu.memory_space<hbm>> -> memref<65536xf32, #tpu.memory_space<hbm>>
    %dma_wait3A_95 = arith.constant 131072 : i32
    %dma_wait3A_96 = tpu.memref_slice %arg2[%add3A_33, %dma_wait3A_95] : memref<64x1048576xf32, #tpu.memory_space<hbm>> -> memref<1x65536xf32, #tpu.memory_space<hbm>>
    %dma_wait3A_97 = tpu.memref_squeeze %dma_wait3A_96 : memref<1x65536xf32, #tpu.memory_space<hbm>> -> memref<65536xf32, #tpu.memory_space<hbm>>
    tpu.wait_dma2 semaphore(%arg6 : memref<!tpu.dma_semaphore, #tpu.memory_space<semaphore_mem>>) src(%dma_wait3A_97 : memref<65536xf32, #tpu.memory_space<hbm>>) dst(%arg4 : memref<65536xf32, #tpu.memory_space<vmem>>)
    %dma_start3A_98 = arith.constant 131072 : i32
    %dma_start3A_99 = tpu.memref_slice %arg3[%add3A, %dma_start3A_98] : memref<32x1048576xf32, #tpu.memory_space<hbm>> -> memref<1x65536xf32, #tpu.memory_space<hbm>>
    %dma_start3A_100 = tpu.memref_squeeze %dma_start3A_99 : memref<1x65536xf32, #tpu.memory_space<hbm>> -> memref<65536xf32, #tpu.memory_space<hbm>>
    %dma_start3A_101 = arith.constant 131072 : i32
    %dma_start3A_102 = tpu.memref_slice %arg3[%add3A, %dma_start3A_101] : memref<32x1048576xf32, #tpu.memory_space<hbm>> -> memref<1x65536xf32, #tpu.memory_space<hbm>>
    %dma_start3A_103 = tpu.memref_squeeze %dma_start3A_102 : memref<1x65536xf32, #tpu.memory_space<hbm>> -> memref<65536xf32, #tpu.memory_space<hbm>>
    tpu.enqueue_dma source(%arg4 : memref<65536xf32, #tpu.memory_space<vmem>>) target(%dma_start3A_103 : memref<65536xf32, #tpu.memory_space<hbm>>) target_semaphore(%arg8 : memref<!tpu.dma_semaphore, #tpu.memory_space<semaphore_mem>>)
    %dma_wait3A_104 = arith.constant 131072 : i32
    %dma_wait3A_105 = tpu.memref_slice %arg3[%add3A, %dma_wait3A_104] : memref<32x1048576xf32, #tpu.memory_space<hbm>> -> memref<1x65536xf32, #tpu.memory_space<hbm>>
    %dma_wait3A_106 = tpu.memref_squeeze %dma_wait3A_105 : memref<1x65536xf32, #tpu.memory_space<hbm>> -> memref<65536xf32, #tpu.memory_space<hbm>>
    %dma_wait3A_107 = arith.constant 131072 : i32
    %dma_wait3A_108 = tpu.memref_slice %arg3[%add3A, %dma_wait3A_107] : memref<32x1048576xf32, #tpu.memory_space<hbm>> -> memref<1x65536xf32, #tpu.memory_space<hbm>>
    %dma_wait3A_109 = tpu.memref_squeeze %dma_wait3A_108 : memref<1x65536xf32, #tpu.memory_space<hbm>> -> memref<65536xf32, #tpu.memory_space<hbm>>
    tpu.wait_dma2 semaphore(%arg8 : memref<!tpu.dma_semaphore, #tpu.memory_space<semaphore_mem>>) src(%arg4 : memref<65536xf32, #tpu.memory_space<vmem>>) dst(%dma_wait3A_109 : memref<65536xf32, #tpu.memory_space<hbm>>)
    %dma_start3A_110 = arith.constant 262144 : i32
    %dma_start3A_111 = tpu.memref_slice %arg2[%add3A_33, %dma_start3A_110] : memref<64x1048576xf32, #tpu.memory_space<hbm>> -> memref<1x65536xf32, #tpu.memory_space<hbm>>
    %dma_start3A_112 = tpu.memref_squeeze %dma_start3A_111 : memref<1x65536xf32, #tpu.memory_space<hbm>> -> memref<65536xf32, #tpu.memory_space<hbm>>
    %dma_start3A_113 = arith.constant 262144 : i32
    %dma_start3A_114 = tpu.memref_slice %arg2[%add3A_33, %dma_start3A_113] : memref<64x1048576xf32, #tpu.memory_space<hbm>> -> memref<1x65536xf32, #tpu.memory_space<hbm>>
    %dma_start3A_115 = tpu.memref_squeeze %dma_start3A_114 : memref<1x65536xf32, #tpu.memory_space<hbm>> -> memref<65536xf32, #tpu.memory_space<hbm>>
    tpu.enqueue_dma source(%dma_start3A_115 : memref<65536xf32, #tpu.memory_space<hbm>>) target(%arg4 : memref<65536xf32, #tpu.memory_space<vmem>>) target_semaphore(%arg6 : memref<!tpu.dma_semaphore, #tpu.memory_space<semaphore_mem>>)
    %dma_wait3A_116 = arith.constant 196608 : i32
    %dma_wait3A_117 = tpu.memref_slice %arg2[%add3A_33, %dma_wait3A_116] : memref<64x1048576xf32, #tpu.memory_space<hbm>> -> memref<1x65536xf32, #tpu.memory_space<hbm>>
    %dma_wait3A_118 = tpu.memref_squeeze %dma_wait3A_117 : memref<1x65536xf32, #tpu.memory_space<hbm>> -> memref<65536xf32, #tpu.memory_space<hbm>>
    %dma_wait3A_119 = arith.constant 196608 : i32
    %dma_wait3A_120 = tpu.memref_slice %arg2[%add3A_33, %dma_wait3A_119] : memref<64x1048576xf32, #tpu.memory_space<hbm>> -> memref<1x65536xf32, #tpu.memory_space<hbm>>
    %dma_wait3A_121 = tpu.memref_squeeze %dma_wait3A_120 : memref<1x65536xf32, #tpu.memory_space<hbm>> -> memref<65536xf32, #tpu.memory_space<hbm>>
    tpu.wait_dma2 semaphore(%arg7 : memref<!tpu.dma_semaphore, #tpu.memory_space<semaphore_mem>>) src(%dma_wait3A_121 : memref<65536xf32, #tpu.memory_space<hbm>>) dst(%arg5 : memref<65536xf32, #tpu.memory_space<vmem>>)
    %dma_start3A_122 = arith.constant 196608 : i32
    %dma_start3A_123 = tpu.memref_slice %arg3[%add3A, %dma_start3A_122] : memref<32x1048576xf32, #tpu.memory_space<hbm>> -> memref<1x65536xf32, #tpu.memory_space<hbm>>
    %dma_start3A_124 = tpu.memref_squeeze %dma_start3A_123 : memref<1x65536xf32, #tpu.memory_space<hbm>> -> memref<65536xf32, #tpu.memory_space<hbm>>
    %dma_start3A_125 = arith.constant 196608 : i32
    %dma_start3A_126 = tpu.memref_slice %arg3[%add3A, %dma_start3A_125] : memref<32x1048576xf32, #tpu.memory_space<hbm>> -> memref<1x65536xf32, #tpu.memory_space<hbm>>
    %dma_start3A_127 = tpu.memref_squeeze %dma_start3A_126 : memref<1x65536xf32, #tpu.memory_space<hbm>> -> memref<65536xf32, #tpu.memory_space<hbm>>
    tpu.enqueue_dma source(%arg5 : memref<65536xf32, #tpu.memory_space<vmem>>) target(%dma_start3A_127 : memref<65536xf32, #tpu.memory_space<hbm>>) target_semaphore(%arg9 : memref<!tpu.dma_semaphore, #tpu.memory_space<semaphore_mem>>)
    %dma_wait3A_128 = arith.constant 196608 : i32
    %dma_wait3A_129 = tpu.memref_slice %arg3[%add3A, %dma_wait3A_128] : memref<32x1048576xf32, #tpu.memory_space<hbm>> -> memref<1x65536xf32, #tpu.memory_space<hbm>>
    %dma_wait3A_130 = tpu.memref_squeeze %dma_wait3A_129 : memref<1x65536xf32, #tpu.memory_space<hbm>> -> memref<65536xf32, #tpu.memory_space<hbm>>
    %dma_wait3A_131 = arith.constant 196608 : i32
    %dma_wait3A_132 = tpu.memref_slice %arg3[%add3A, %dma_wait3A_131] : memref<32x1048576xf32, #tpu.memory_space<hbm>> -> memref<1x65536xf32, #tpu.memory_space<hbm>>
    %dma_wait3A_133 = tpu.memref_squeeze %dma_wait3A_132 : memref<1x65536xf32, #tpu.memory_space<hbm>> -> memref<65536xf32, #tpu.memory_space<hbm>>
    tpu.wait_dma2 semaphore(%arg9 : memref<!tpu.dma_semaphore, #tpu.memory_space<semaphore_mem>>) src(%arg5 : memref<65536xf32, #tpu.memory_space<vmem>>) dst(%dma_wait3A_133 : memref<65536xf32, #tpu.memory_space<hbm>>)
    %dma_start3A_134 = arith.constant 327680 : i32
    %dma_start3A_135 = tpu.memref_slice %arg2[%add3A_33, %dma_start3A_134] : memref<64x1048576xf32, #tpu.memory_space<hbm>> -> memref<1x65536xf32, #tpu.memory_space<hbm>>
    %dma_start3A_136 = tpu.memref_squeeze %dma_start3A_135 : memref<1x65536xf32, #tpu.memory_space<hbm>> -> memref<65536xf32, #tpu.memory_space<hbm>>
    %dma_start3A_137 = arith.constant 327680 : i32
    %dma_start3A_138 = tpu.memref_slice %arg2[%add3A_33, %dma_start3A_137] : memref<64x1048576xf32, #tpu.memory_space<hbm>> -> memref<1x65536xf32, #tpu.memory_space<hbm>>
    %dma_start3A_139 = tpu.memref_squeeze %dma_start3A_138 : memref<1x65536xf32, #tpu.memory_space<hbm>> -> memref<65536xf32, #tpu.memory_space<hbm>>
    tpu.enqueue_dma source(%dma_start3A_139 : memref<65536xf32, #tpu.memory_space<hbm>>) target(%arg5 : memref<65536xf32, #tpu.memory_space<vmem>>) target_semaphore(%arg7 : memref<!tpu.dma_semaphore, #tpu.memory_space<semaphore_mem>>)
    %dma_wait3A_140 = arith.constant 262144 : i32
    %dma_wait3A_141 = tpu.memref_slice %arg2[%add3A_33, %dma_wait3A_140] : memref<64x1048576xf32, #tpu.memory_space<hbm>> -> memref<1x65536xf32, #tpu.memory_space<hbm>>
    %dma_wait3A_142 = tpu.memref_squeeze %dma_wait3A_141 : memref<1x65536xf32, #tpu.memory_space<hbm>> -> memref<65536xf32, #tpu.memory_space<hbm>>
    %dma_wait3A_143 = arith.constant 262144 : i32
    %dma_wait3A_144 = tpu.memref_slice %arg2[%add3A_33, %dma_wait3A_143] : memref<64x1048576xf32, #tpu.memory_space<hbm>> -> memref<1x65536xf32, #tpu.memory_space<hbm>>
    %dma_wait3A_145 = tpu.memref_squeeze %dma_wait3A_144 : memref<1x65536xf32, #tpu.memory_space<hbm>> -> memref<65536xf32, #tpu.memory_space<hbm>>
    tpu.wait_dma2 semaphore(%arg6 : memref<!tpu.dma_semaphore, #tpu.memory_space<semaphore_mem>>) src(%dma_wait3A_145 : memref<65536xf32, #tpu.memory_space<hbm>>) dst(%arg4 : memref<65536xf32, #tpu.memory_space<vmem>>)
    %dma_start3A_146 = arith.constant 262144 : i32
    %dma_start3A_147 = tpu.memref_slice %arg3[%add3A, %dma_start3A_146] : memref<32x1048576xf32, #tpu.memory_space<hbm>> -> memref<1x65536xf32, #tpu.memory_space<hbm>>
    %dma_start3A_148 = tpu.memref_squeeze %dma_start3A_147 : memref<1x65536xf32, #tpu.memory_space<hbm>> -> memref<65536xf32, #tpu.memory_space<hbm>>
    %dma_start3A_149 = arith.constant 262144 : i32
    %dma_start3A_150 = tpu.memref_slice %arg3[%add3A, %dma_start3A_149] : memref<32x1048576xf32, #tpu.memory_space<hbm>> -> memref<1x65536xf32, #tpu.memory_space<hbm>>
    %dma_start3A_151 = tpu.memref_squeeze %dma_start3A_150 : memref<1x65536xf32, #tpu.memory_space<hbm>> -> memref<65536xf32, #tpu.memory_space<hbm>>
    tpu.enqueue_dma source(%arg4 : memref<65536xf32, #tpu.memory_space<vmem>>) target(%dma_start3A_151 : memref<65536xf32, #tpu.memory_space<hbm>>) target_semaphore(%arg8 : memref<!tpu.dma_semaphore, #tpu.memory_space<semaphore_mem>>)
    %dma_wait3A_152 = arith.constant 262144 : i32
    %dma_wait3A_153 = tpu.memref_slice %arg3[%add3A, %dma_wait3A_152] : memref<32x1048576xf32, #tpu.memory_space<hbm>> -> memref<1x65536xf32, #tpu.memory_space<hbm>>
    %dma_wait3A_154 = tpu.memref_squeeze %dma_wait3A_153 : memref<1x65536xf32, #tpu.memory_space<hbm>> -> memref<65536xf32, #tpu.memory_space<hbm>>
    %dma_wait3A_155 = arith.constant 262144 : i32
    %dma_wait3A_156 = tpu.memref_slice %arg3[%add3A, %dma_wait3A_155] : memref<32x1048576xf32, #tpu.memory_space<hbm>> -> memref<1x65536xf32, #tpu.memory_space<hbm>>
    %dma_wait3A_157 = tpu.memref_squeeze %dma_wait3A_156 : memref<1x65536xf32, #tpu.memory_space<hbm>> -> memref<65536xf32, #tpu.memory_space<hbm>>
    tpu.wait_dma2 semaphore(%arg8 : memref<!tpu.dma_semaphore, #tpu.memory_space<semaphore_mem>>) src(%arg4 : memref<65536xf32, #tpu.memory_space<vmem>>) dst(%dma_wait3A_157 : memref<65536xf32, #tpu.memory_space<hbm>>)
    %dma_start3A_158 = arith.constant 393216 : i32
    %dma_start3A_159 = tpu.memref_slice %arg2[%add3A_33, %dma_start3A_158] : memref<64x1048576xf32, #tpu.memory_space<hbm>> -> memref<1x65536xf32, #tpu.memory_space<hbm>>
    %dma_start3A_160 = tpu.memref_squeeze %dma_start3A_159 : memref<1x65536xf32, #tpu.memory_space<hbm>> -> memref<65536xf32, #tpu.memory_space<hbm>>
    %dma_start3A_161 = arith.constant 393216 : i32
    %dma_start3A_162 = tpu.memref_slice %arg2[%add3A_33, %dma_start3A_161] : memref<64x1048576xf32, #tpu.memory_space<hbm>> -> memref<1x65536xf32, #tpu.memory_space<hbm>>
    %dma_start3A_163 = tpu.memref_squeeze %dma_start3A_162 : memref<1x65536xf32, #tpu.memory_space<hbm>> -> memref<65536xf32, #tpu.memory_space<hbm>>
    tpu.enqueue_dma source(%dma_start3A_163 : memref<65536xf32, #tpu.memory_space<hbm>>) target(%arg4 : memref<65536xf32, #tpu.memory_space<vmem>>) target_semaphore(%arg6 : memref<!tpu.dma_semaphore, #tpu.memory_space<semaphore_mem>>)
    %dma_wait3A_164 = arith.constant 327680 : i32
    %dma_wait3A_165 = tpu.memref_slice %arg2[%add3A_33, %dma_wait3A_164] : memref<64x1048576xf32, #tpu.memory_space<hbm>> -> memref<1x65536xf32, #tpu.memory_space<hbm>>
    %dma_wait3A_166 = tpu.memref_squeeze %dma_wait3A_165 : memref<1x65536xf32, #tpu.memory_space<hbm>> -> memref<65536xf32, #tpu.memory_space<hbm>>
    %dma_wait3A_167 = arith.constant 327680 : i32
    %dma_wait3A_168 = tpu.memref_slice %arg2[%add3A_33, %dma_wait3A_167] : memref<64x1048576xf32, #tpu.memory_space<hbm>> -> memref<1x65536xf32, #tpu.memory_space<hbm>>
    %dma_wait3A_169 = tpu.memref_squeeze %dma_wait3A_168 : memref<1x65536xf32, #tpu.memory_space<hbm>> -> memref<65536xf32, #tpu.memory_space<hbm>>
    tpu.wait_dma2 semaphore(%arg7 : memref<!tpu.dma_semaphore, #tpu.memory_space<semaphore_mem>>) src(%dma_wait3A_169 : memref<65536xf32, #tpu.memory_space<hbm>>) dst(%arg5 : memref<65536xf32, #tpu.memory_space<vmem>>)
    %dma_start3A_170 = arith.constant 327680 : i32
    %dma_start3A_171 = tpu.memref_slice %arg3[%add3A, %dma_start3A_170] : memref<32x1048576xf32, #tpu.memory_space<hbm>> -> memref<1x65536xf32, #tpu.memory_space<hbm>>
    %dma_start3A_172 = tpu.memref_squeeze %dma_start3A_171 : memref<1x65536xf32, #tpu.memory_space<hbm>> -> memref<65536xf32, #tpu.memory_space<hbm>>
    %dma_start3A_173 = arith.constant 327680 : i32
    %dma_start3A_174 = tpu.memref_slice %arg3[%add3A, %dma_start3A_173] : memref<32x1048576xf32, #tpu.memory_space<hbm>> -> memref<1x65536xf32, #tpu.memory_space<hbm>>
    %dma_start3A_175 = tpu.memref_squeeze %dma_start3A_174 : memref<1x65536xf32, #tpu.memory_space<hbm>> -> memref<65536xf32, #tpu.memory_space<hbm>>
    tpu.enqueue_dma source(%arg5 : memref<65536xf32, #tpu.memory_space<vmem>>) target(%dma_start3A_175 : memref<65536xf32, #tpu.memory_space<hbm>>) target_semaphore(%arg9 : memref<!tpu.dma_semaphore, #tpu.memory_space<semaphore_mem>>)
    %dma_wait3A_176 = arith.constant 327680 : i32
    %dma_wait3A_177 = tpu.memref_slice %arg3[%add3A, %dma_wait3A_176] : memref<32x1048576xf32, #tpu.memory_space<hbm>> -> memref<1x65536xf32, #tpu.memory_space<hbm>>
    %dma_wait3A_178 = tpu.memref_squeeze %dma_wait3A_177 : memref<1x65536xf32, #tpu.memory_space<hbm>> -> memref<65536xf32, #tpu.memory_space<hbm>>
    %dma_wait3A_179 = arith.constant 327680 : i32
    %dma_wait3A_180 = tpu.memref_slice %arg3[%add3A, %dma_wait3A_179] : memref<32x1048576xf32, #tpu.memory_space<hbm>> -> memref<1x65536xf32, #tpu.memory_space<hbm>>
    %dma_wait3A_181 = tpu.memref_squeeze %dma_wait3A_180 : memref<1x65536xf32, #tpu.memory_space<hbm>> -> memref<65536xf32, #tpu.memory_space<hbm>>
    tpu.wait_dma2 semaphore(%arg9 : memref<!tpu.dma_semaphore, #tpu.memory_space<semaphore_mem>>) src(%arg5 : memref<65536xf32, #tpu.memory_space<vmem>>) dst(%dma_wait3A_181 : memref<65536xf32, #tpu.memory_space<hbm>>)
    %dma_start3A_182 = arith.constant 458752 : i32
    %dma_start3A_183 = tpu.memref_slice %arg2[%add3A_33, %dma_start3A_182] : memref<64x1048576xf32, #tpu.memory_space<hbm>> -> memref<1x65536xf32, #tpu.memory_space<hbm>>
    %dma_start3A_184 = tpu.memref_squeeze %dma_start3A_183 : memref<1x65536xf32, #tpu.memory_space<hbm>> -> memref<65536xf32, #tpu.memory_space<hbm>>
    %dma_start3A_185 = arith.constant 458752 : i32
    %dma_start3A_186 = tpu.memref_slice %arg2[%add3A_33, %dma_start3A_185] : memref<64x1048576xf32, #tpu.memory_space<hbm>> -> memref<1x65536xf32, #tpu.memory_space<hbm>>
    %dma_start3A_187 = tpu.memref_squeeze %dma_start3A_186 : memref<1x65536xf32, #tpu.memory_space<hbm>> -> memref<65536xf32, #tpu.memory_space<hbm>>
    tpu.enqueue_dma source(%dma_start3A_187 : memref<65536xf32, #tpu.memory_space<hbm>>) target(%arg5 : memref<65536xf32, #tpu.memory_space<vmem>>) target_semaphore(%arg7 : memref<!tpu.dma_semaphore, #tpu.memory_space<semaphore_mem>>)
    %dma_wait3A_188 = arith.constant 393216 : i32
    %dma_wait3A_189 = tpu.memref_slice %arg2[%add3A_33, %dma_wait3A_188] : memref<64x1048576xf32, #tpu.memory_space<hbm>> -> memref<1x65536xf32, #tpu.memory_space<hbm>>
    %dma_wait3A_190 = tpu.memref_squeeze %dma_wait3A_189 : memref<1x65536xf32, #tpu.memory_space<hbm>> -> memref<65536xf32, #tpu.memory_space<hbm>>
    %dma_wait3A_191 = arith.constant 393216 : i32
    %dma_wait3A_192 = tpu.memref_slice %arg2[%add3A_33, %dma_wait3A_191] : memref<64x1048576xf32, #tpu.memory_space<hbm>> -> memref<1x65536xf32, #tpu.memory_space<hbm>>
    %dma_wait3A_193 = tpu.memref_squeeze %dma_wait3A_192 : memref<1x65536xf32, #tpu.memory_space<hbm>> -> memref<65536xf32, #tpu.memory_space<hbm>>
    tpu.wait_dma2 semaphore(%arg6 : memref<!tpu.dma_semaphore, #tpu.memory_space<semaphore_mem>>) src(%dma_wait3A_193 : memref<65536xf32, #tpu.memory_space<hbm>>) dst(%arg4 : memref<65536xf32, #tpu.memory_space<vmem>>)
    %dma_start3A_194 = arith.constant 393216 : i32
    %dma_start3A_195 = tpu.memref_slice %arg3[%add3A, %dma_start3A_194] : memref<32x1048576xf32, #tpu.memory_space<hbm>> -> memref<1x65536xf32, #tpu.memory_space<hbm>>
    %dma_start3A_196 = tpu.memref_squeeze %dma_start3A_195 : memref<1x65536xf32, #tpu.memory_space<hbm>> -> memref<65536xf32, #tpu.memory_space<hbm>>
    %dma_start3A_197 = arith.constant 393216 : i32
    %dma_start3A_198 = tpu.memref_slice %arg3[%add3A, %dma_start3A_197] : memref<32x1048576xf32, #tpu.memory_space<hbm>> -> memref<1x65536xf32, #tpu.memory_space<hbm>>
    %dma_start3A_199 = tpu.memref_squeeze %dma_start3A_198 : memref<1x65536xf32, #tpu.memory_space<hbm>> -> memref<65536xf32, #tpu.memory_space<hbm>>
    tpu.enqueue_dma source(%arg4 : memref<65536xf32, #tpu.memory_space<vmem>>) target(%dma_start3A_199 : memref<65536xf32, #tpu.memory_space<hbm>>) target_semaphore(%arg8 : memref<!tpu.dma_semaphore, #tpu.memory_space<semaphore_mem>>)
    %dma_wait3A_200 = arith.constant 393216 : i32
    %dma_wait3A_201 = tpu.memref_slice %arg3[%add3A, %dma_wait3A_200] : memref<32x1048576xf32, #tpu.memory_space<hbm>> -> memref<1x65536xf32, #tpu.memory_space<hbm>>
    %dma_wait3A_202 = tpu.memref_squeeze %dma_wait3A_201 : memref<1x65536xf32, #tpu.memory_space<hbm>> -> memref<65536xf32, #tpu.memory_space<hbm>>
    %dma_wait3A_203 = arith.constant 393216 : i32
    %dma_wait3A_204 = tpu.memref_slice %arg3[%add3A, %dma_wait3A_203] : memref<32x1048576xf32, #tpu.memory_space<hbm>> -> memref<1x65536xf32, #tpu.memory_space<hbm>>
    %dma_wait3A_205 = tpu.memref_squeeze %dma_wait3A_204 : memref<1x65536xf32, #tpu.memory_space<hbm>> -> memref<65536xf32, #tpu.memory_space<hbm>>
    tpu.wait_dma2 semaphore(%arg8 : memref<!tpu.dma_semaphore, #tpu.memory_space<semaphore_mem>>) src(%arg4 : memref<65536xf32, #tpu.memory_space<vmem>>) dst(%dma_wait3A_205 : memref<65536xf32, #tpu.memory_space<hbm>>)
    %dma_start3A_206 = arith.constant 524288 : i32
    %dma_start3A_207 = tpu.memref_slice %arg2[%add3A_33, %dma_start3A_206] : memref<64x1048576xf32, #tpu.memory_space<hbm>> -> memref<1x65536xf32, #tpu.memory_space<hbm>>
    %dma_start3A_208 = tpu.memref_squeeze %dma_start3A_207 : memref<1x65536xf32, #tpu.memory_space<hbm>> -> memref<65536xf32, #tpu.memory_space<hbm>>
    %dma_start3A_209 = arith.constant 524288 : i32
    %dma_start3A_210 = tpu.memref_slice %arg2[%add3A_33, %dma_start3A_209] : memref<64x1048576xf32, #tpu.memory_space<hbm>> -> memref<1x65536xf32, #tpu.memory_space<hbm>>
    %dma_start3A_211 = tpu.memref_squeeze %dma_start3A_210 : memref<1x65536xf32, #tpu.memory_space<hbm>> -> memref<65536xf32, #tpu.memory_space<hbm>>
    tpu.enqueue_dma source(%dma_start3A_211 : memref<65536xf32, #tpu.memory_space<hbm>>) target(%arg4 : memref<65536xf32, #tpu.memory_space<vmem>>) target_semaphore(%arg6 : memref<!tpu.dma_semaphore, #tpu.memory_space<semaphore_mem>>)
    %dma_wait3A_212 = arith.constant 458752 : i32
    %dma_wait3A_213 = tpu.memref_slice %arg2[%add3A_33, %dma_wait3A_212] : memref<64x1048576xf32, #tpu.memory_space<hbm>> -> memref<1x65536xf32, #tpu.memory_space<hbm>>
    %dma_wait3A_214 = tpu.memref_squeeze %dma_wait3A_213 : memref<1x65536xf32, #tpu.memory_space<hbm>> -> memref<65536xf32, #tpu.memory_space<hbm>>
    %dma_wait3A_215 = arith.constant 458752 : i32
    %dma_wait3A_216 = tpu.memref_slice %arg2[%add3A_33, %dma_wait3A_215] : memref<64x1048576xf32, #tpu.memory_space<hbm>> -> memref<1x65536xf32, #tpu.memory_space<hbm>>
    %dma_wait3A_217 = tpu.memref_squeeze %dma_wait3A_216 : memref<1x65536xf32, #tpu.memory_space<hbm>> -> memref<65536xf32, #tpu.memory_space<hbm>>
    tpu.wait_dma2 semaphore(%arg7 : memref<!tpu.dma_semaphore, #tpu.memory_space<semaphore_mem>>) src(%dma_wait3A_217 : memref<65536xf32, #tpu.memory_space<hbm>>) dst(%arg5 : memref<65536xf32, #tpu.memory_space<vmem>>)
    %dma_start3A_218 = arith.constant 458752 : i32
    %dma_start3A_219 = tpu.memref_slice %arg3[%add3A, %dma_start3A_218] : memref<32x1048576xf32, #tpu.memory_space<hbm>> -> memref<1x65536xf32, #tpu.memory_space<hbm>>
    %dma_start3A_220 = tpu.memref_squeeze %dma_start3A_219 : memref<1x65536xf32, #tpu.memory_space<hbm>> -> memref<65536xf32, #tpu.memory_space<hbm>>
    %dma_start3A_221 = arith.constant 458752 : i32
    %dma_start3A_222 = tpu.memref_slice %arg3[%add3A, %dma_start3A_221] : memref<32x1048576xf32, #tpu.memory_space<hbm>> -> memref<1x65536xf32, #tpu.memory_space<hbm>>
    %dma_start3A_223 = tpu.memref_squeeze %dma_start3A_222 : memref<1x65536xf32, #tpu.memory_space<hbm>> -> memref<65536xf32, #tpu.memory_space<hbm>>
    tpu.enqueue_dma source(%arg5 : memref<65536xf32, #tpu.memory_space<vmem>>) target(%dma_start3A_223 : memref<65536xf32, #tpu.memory_space<hbm>>) target_semaphore(%arg9 : memref<!tpu.dma_semaphore, #tpu.memory_space<semaphore_mem>>)
    %dma_wait3A_224 = arith.constant 458752 : i32
    %dma_wait3A_225 = tpu.memref_slice %arg3[%add3A, %dma_wait3A_224] : memref<32x1048576xf32, #tpu.memory_space<hbm>> -> memref<1x65536xf32, #tpu.memory_space<hbm>>
    %dma_wait3A_226 = tpu.memref_squeeze %dma_wait3A_225 : memref<1x65536xf32, #tpu.memory_space<hbm>> -> memref<65536xf32, #tpu.memory_space<hbm>>
    %dma_wait3A_227 = arith.constant 458752 : i32
    %dma_wait3A_228 = tpu.memref_slice %arg3[%add3A, %dma_wait3A_227] : memref<32x1048576xf32, #tpu.memory_space<hbm>> -> memref<1x65536xf32, #tpu.memory_space<hbm>>
    %dma_wait3A_229 = tpu.memref_squeeze %dma_wait3A_228 : memref<1x65536xf32, #tpu.memory_space<hbm>> -> memref<65536xf32, #tpu.memory_space<hbm>>
    tpu.wait_dma2 semaphore(%arg9 : memref<!tpu.dma_semaphore, #tpu.memory_space<semaphore_mem>>) src(%arg5 : memref<65536xf32, #tpu.memory_space<vmem>>) dst(%dma_wait3A_229 : memref<65536xf32, #tpu.memory_space<hbm>>)
    %dma_start3A_230 = arith.constant 589824 : i32
    %dma_start3A_231 = tpu.memref_slice %arg2[%add3A_33, %dma_start3A_230] : memref<64x1048576xf32, #tpu.memory_space<hbm>> -> memref<1x65536xf32, #tpu.memory_space<hbm>>
    %dma_start3A_232 = tpu.memref_squeeze %dma_start3A_231 : memref<1x65536xf32, #tpu.memory_space<hbm>> -> memref<65536xf32, #tpu.memory_space<hbm>>
    %dma_start3A_233 = arith.constant 589824 : i32
    %dma_start3A_234 = tpu.memref_slice %arg2[%add3A_33, %dma_start3A_233] : memref<64x1048576xf32, #tpu.memory_space<hbm>> -> memref<1x65536xf32, #tpu.memory_space<hbm>>
    %dma_start3A_235 = tpu.memref_squeeze %dma_start3A_234 : memref<1x65536xf32, #tpu.memory_space<hbm>> -> memref<65536xf32, #tpu.memory_space<hbm>>
    tpu.enqueue_dma source(%dma_start3A_235 : memref<65536xf32, #tpu.memory_space<hbm>>) target(%arg5 : memref<65536xf32, #tpu.memory_space<vmem>>) target_semaphore(%arg7 : memref<!tpu.dma_semaphore, #tpu.memory_space<semaphore_mem>>)
    %dma_wait3A_236 = arith.constant 524288 : i32
    %dma_wait3A_237 = tpu.memref_slice %arg2[%add3A_33, %dma_wait3A_236] : memref<64x1048576xf32, #tpu.memory_space<hbm>> -> memref<1x65536xf32, #tpu.memory_space<hbm>>
    %dma_wait3A_238 = tpu.memref_squeeze %dma_wait3A_237 : memref<1x65536xf32, #tpu.memory_space<hbm>> -> memref<65536xf32, #tpu.memory_space<hbm>>
    %dma_wait3A_239 = arith.constant 524288 : i32
    %dma_wait3A_240 = tpu.memref_slice %arg2[%add3A_33, %dma_wait3A_239] : memref<64x1048576xf32, #tpu.memory_space<hbm>> -> memref<1x65536xf32, #tpu.memory_space<hbm>>
    %dma_wait3A_241 = tpu.memref_squeeze %dma_wait3A_240 : memref<1x65536xf32, #tpu.memory_space<hbm>> -> memref<65536xf32, #tpu.memory_space<hbm>>
    tpu.wait_dma2 semaphore(%arg6 : memref<!tpu.dma_semaphore, #tpu.memory_space<semaphore_mem>>) src(%dma_wait3A_241 : memref<65536xf32, #tpu.memory_space<hbm>>) dst(%arg4 : memref<65536xf32, #tpu.memory_space<vmem>>)
    %dma_start3A_242 = arith.constant 524288 : i32
    %dma_start3A_243 = tpu.memref_slice %arg3[%add3A, %dma_start3A_242] : memref<32x1048576xf32, #tpu.memory_space<hbm>> -> memref<1x65536xf32, #tpu.memory_space<hbm>>
    %dma_start3A_244 = tpu.memref_squeeze %dma_start3A_243 : memref<1x65536xf32, #tpu.memory_space<hbm>> -> memref<65536xf32, #tpu.memory_space<hbm>>
    %dma_start3A_245 = arith.constant 524288 : i32
    %dma_start3A_246 = tpu.memref_slice %arg3[%add3A, %dma_start3A_245] : memref<32x1048576xf32, #tpu.memory_space<hbm>> -> memref<1x65536xf32, #tpu.memory_space<hbm>>
    %dma_start3A_247 = tpu.memref_squeeze %dma_start3A_246 : memref<1x65536xf32, #tpu.memory_space<hbm>> -> memref<65536xf32, #tpu.memory_space<hbm>>
    tpu.enqueue_dma source(%arg4 : memref<65536xf32, #tpu.memory_space<vmem>>) target(%dma_start3A_247 : memref<65536xf32, #tpu.memory_space<hbm>>) target_semaphore(%arg8 : memref<!tpu.dma_semaphore, #tpu.memory_space<semaphore_mem>>)
    %dma_wait3A_248 = arith.constant 524288 : i32
    %dma_wait3A_249 = tpu.memref_slice %arg3[%add3A, %dma_wait3A_248] : memref<32x1048576xf32, #tpu.memory_space<hbm>> -> memref<1x65536xf32, #tpu.memory_space<hbm>>
    %dma_wait3A_250 = tpu.memref_squeeze %dma_wait3A_249 : memref<1x65536xf32, #tpu.memory_space<hbm>> -> memref<65536xf32, #tpu.memory_space<hbm>>
    %dma_wait3A_251 = arith.constant 524288 : i32
    %dma_wait3A_252 = tpu.memref_slice %arg3[%add3A, %dma_wait3A_251] : memref<32x1048576xf32, #tpu.memory_space<hbm>> -> memref<1x65536xf32, #tpu.memory_space<hbm>>
    %dma_wait3A_253 = tpu.memref_squeeze %dma_wait3A_252 : memref<1x65536xf32, #tpu.memory_space<hbm>> -> memref<65536xf32, #tpu.memory_space<hbm>>
    tpu.wait_dma2 semaphore(%arg8 : memref<!tpu.dma_semaphore, #tpu.memory_space<semaphore_mem>>) src(%arg4 : memref<65536xf32, #tpu.memory_space<vmem>>) dst(%dma_wait3A_253 : memref<65536xf32, #tpu.memory_space<hbm>>)
    %dma_start3A_254 = arith.constant 655360 : i32
    %dma_start3A_255 = tpu.memref_slice %arg2[%add3A_33, %dma_start3A_254] : memref<64x1048576xf32, #tpu.memory_space<hbm>> -> memref<1x65536xf32, #tpu.memory_space<hbm>>
    %dma_start3A_256 = tpu.memref_squeeze %dma_start3A_255 : memref<1x65536xf32, #tpu.memory_space<hbm>> -> memref<65536xf32, #tpu.memory_space<hbm>>
    %dma_start3A_257 = arith.constant 655360 : i32
    %dma_start3A_258 = tpu.memref_slice %arg2[%add3A_33, %dma_start3A_257] : memref<64x1048576xf32, #tpu.memory_space<hbm>> -> memref<1x65536xf32, #tpu.memory_space<hbm>>
    %dma_start3A_259 = tpu.memref_squeeze %dma_start3A_258 : memref<1x65536xf32, #tpu.memory_space<hbm>> -> memref<65536xf32, #tpu.memory_space<hbm>>
    tpu.enqueue_dma source(%dma_start3A_259 : memref<65536xf32, #tpu.memory_space<hbm>>) target(%arg4 : memref<65536xf32, #tpu.memory_space<vmem>>) target_semaphore(%arg6 : memref<!tpu.dma_semaphore, #tpu.memory_space<semaphore_mem>>)
    %dma_wait3A_260 = arith.constant 589824 : i32
    %dma_wait3A_261 = tpu.memref_slice %arg2[%add3A_33, %dma_wait3A_260] : memref<64x1048576xf32, #tpu.memory_space<hbm>> -> memref<1x65536xf32, #tpu.memory_space<hbm>>
    %dma_wait3A_262 = tpu.memref_squeeze %dma_wait3A_261 : memref<1x65536xf32, #tpu.memory_space<hbm>> -> memref<65536xf32, #tpu.memory_space<hbm>>
    %dma_wait3A_263 = arith.constant 589824 : i32
    %dma_wait3A_264 = tpu.memref_slice %arg2[%add3A_33, %dma_wait3A_263] : memref<64x1048576xf32, #tpu.memory_space<hbm>> -> memref<1x65536xf32, #tpu.memory_space<hbm>>
    %dma_wait3A_265 = tpu.memref_squeeze %dma_wait3A_264 : memref<1x65536xf32, #tpu.memory_space<hbm>> -> memref<65536xf32, #tpu.memory_space<hbm>>
    tpu.wait_dma2 semaphore(%arg7 : memref<!tpu.dma_semaphore, #tpu.memory_space<semaphore_mem>>) src(%dma_wait3A_265 : memref<65536xf32, #tpu.memory_space<hbm>>) dst(%arg5 : memref<65536xf32, #tpu.memory_space<vmem>>)
    %dma_start3A_266 = arith.constant 589824 : i32
    %dma_start3A_267 = tpu.memref_slice %arg3[%add3A, %dma_start3A_266] : memref<32x1048576xf32, #tpu.memory_space<hbm>> -> memref<1x65536xf32, #tpu.memory_space<hbm>>
    %dma_start3A_268 = tpu.memref_squeeze %dma_start3A_267 : memref<1x65536xf32, #tpu.memory_space<hbm>> -> memref<65536xf32, #tpu.memory_space<hbm>>
    %dma_start3A_269 = arith.constant 589824 : i32
    %dma_start3A_270 = tpu.memref_slice %arg3[%add3A, %dma_start3A_269] : memref<32x1048576xf32, #tpu.memory_space<hbm>> -> memref<1x65536xf32, #tpu.memory_space<hbm>>
    %dma_start3A_271 = tpu.memref_squeeze %dma_start3A_270 : memref<1x65536xf32, #tpu.memory_space<hbm>> -> memref<65536xf32, #tpu.memory_space<hbm>>
    tpu.enqueue_dma source(%arg5 : memref<65536xf32, #tpu.memory_space<vmem>>) target(%dma_start3A_271 : memref<65536xf32, #tpu.memory_space<hbm>>) target_semaphore(%arg9 : memref<!tpu.dma_semaphore, #tpu.memory_space<semaphore_mem>>)
    %dma_wait3A_272 = arith.constant 589824 : i32
    %dma_wait3A_273 = tpu.memref_slice %arg3[%add3A, %dma_wait3A_272] : memref<32x1048576xf32, #tpu.memory_space<hbm>> -> memref<1x65536xf32, #tpu.memory_space<hbm>>
    %dma_wait3A_274 = tpu.memref_squeeze %dma_wait3A_273 : memref<1x65536xf32, #tpu.memory_space<hbm>> -> memref<65536xf32, #tpu.memory_space<hbm>>
    %dma_wait3A_275 = arith.constant 589824 : i32
    %dma_wait3A_276 = tpu.memref_slice %arg3[%add3A, %dma_wait3A_275] : memref<32x1048576xf32, #tpu.memory_space<hbm>> -> memref<1x65536xf32, #tpu.memory_space<hbm>>
    %dma_wait3A_277 = tpu.memref_squeeze %dma_wait3A_276 : memref<1x65536xf32, #tpu.memory_space<hbm>> -> memref<65536xf32, #tpu.memory_space<hbm>>
    tpu.wait_dma2 semaphore(%arg9 : memref<!tpu.dma_semaphore, #tpu.memory_space<semaphore_mem>>) src(%arg5 : memref<65536xf32, #tpu.memory_space<vmem>>) dst(%dma_wait3A_277 : memref<65536xf32, #tpu.memory_space<hbm>>)
    %dma_start3A_278 = arith.constant 720896 : i32
    %dma_start3A_279 = tpu.memref_slice %arg2[%add3A_33, %dma_start3A_278] : memref<64x1048576xf32, #tpu.memory_space<hbm>> -> memref<1x65536xf32, #tpu.memory_space<hbm>>
    %dma_start3A_280 = tpu.memref_squeeze %dma_start3A_279 : memref<1x65536xf32, #tpu.memory_space<hbm>> -> memref<65536xf32, #tpu.memory_space<hbm>>
    %dma_start3A_281 = arith.constant 720896 : i32
    %dma_start3A_282 = tpu.memref_slice %arg2[%add3A_33, %dma_start3A_281] : memref<64x1048576xf32, #tpu.memory_space<hbm>> -> memref<1x65536xf32, #tpu.memory_space<hbm>>
    %dma_start3A_283 = tpu.memref_squeeze %dma_start3A_282 : memref<1x65536xf32, #tpu.memory_space<hbm>> -> memref<65536xf32, #tpu.memory_space<hbm>>
    tpu.enqueue_dma source(%dma_start3A_283 : memref<65536xf32, #tpu.memory_space<hbm>>) target(%arg5 : memref<65536xf32, #tpu.memory_space<vmem>>) target_semaphore(%arg7 : memref<!tpu.dma_semaphore, #tpu.memory_space<semaphore_mem>>)
    %dma_wait3A_284 = arith.constant 655360 : i32
    %dma_wait3A_285 = tpu.memref_slice %arg2[%add3A_33, %dma_wait3A_284] : memref<64x1048576xf32, #tpu.memory_space<hbm>> -> memref<1x65536xf32, #tpu.memory_space<hbm>>
    %dma_wait3A_286 = tpu.memref_squeeze %dma_wait3A_285 : memref<1x65536xf32, #tpu.memory_space<hbm>> -> memref<65536xf32, #tpu.memory_space<hbm>>
    %dma_wait3A_287 = arith.constant 655360 : i32
    %dma_wait3A_288 = tpu.memref_slice %arg2[%add3A_33, %dma_wait3A_287] : memref<64x1048576xf32, #tpu.memory_space<hbm>> -> memref<1x65536xf32, #tpu.memory_space<hbm>>
    %dma_wait3A_289 = tpu.memref_squeeze %dma_wait3A_288 : memref<1x65536xf32, #tpu.memory_space<hbm>> -> memref<65536xf32, #tpu.memory_space<hbm>>
    tpu.wait_dma2 semaphore(%arg6 : memref<!tpu.dma_semaphore, #tpu.memory_space<semaphore_mem>>) src(%dma_wait3A_289 : memref<65536xf32, #tpu.memory_space<hbm>>) dst(%arg4 : memref<65536xf32, #tpu.memory_space<vmem>>)
    %dma_start3A_290 = arith.constant 655360 : i32
    %dma_start3A_291 = tpu.memref_slice %arg3[%add3A, %dma_start3A_290] : memref<32x1048576xf32, #tpu.memory_space<hbm>> -> memref<1x65536xf32, #tpu.memory_space<hbm>>
    %dma_start3A_292 = tpu.memref_squeeze %dma_start3A_291 : memref<1x65536xf32, #tpu.memory_space<hbm>> -> memref<65536xf32, #tpu.memory_space<hbm>>
    %dma_start3A_293 = arith.constant 655360 : i32
    %dma_start3A_294 = tpu.memref_slice %arg3[%add3A, %dma_start3A_293] : memref<32x1048576xf32, #tpu.memory_space<hbm>> -> memref<1x65536xf32, #tpu.memory_space<hbm>>
    %dma_start3A_295 = tpu.memref_squeeze %dma_start3A_294 : memref<1x65536xf32, #tpu.memory_space<hbm>> -> memref<65536xf32, #tpu.memory_space<hbm>>
    tpu.enqueue_dma source(%arg4 : memref<65536xf32, #tpu.memory_space<vmem>>) target(%dma_start3A_295 : memref<65536xf32, #tpu.memory_space<hbm>>) target_semaphore(%arg8 : memref<!tpu.dma_semaphore, #tpu.memory_space<semaphore_mem>>)
    %dma_wait3A_296 = arith.constant 655360 : i32
    %dma_wait3A_297 = tpu.memref_slice %arg3[%add3A, %dma_wait3A_296] : memref<32x1048576xf32, #tpu.memory_space<hbm>> -> memref<1x65536xf32, #tpu.memory_space<hbm>>
    %dma_wait3A_298 = tpu.memref_squeeze %dma_wait3A_297 : memref<1x65536xf32, #tpu.memory_space<hbm>> -> memref<65536xf32, #tpu.memory_space<hbm>>
    %dma_wait3A_299 = arith.constant 655360 : i32
    %dma_wait3A_300 = tpu.memref_slice %arg3[%add3A, %dma_wait3A_299] : memref<32x1048576xf32, #tpu.memory_space<hbm>> -> memref<1x65536xf32, #tpu.memory_space<hbm>>
    %dma_wait3A_301 = tpu.memref_squeeze %dma_wait3A_300 : memref<1x65536xf32, #tpu.memory_space<hbm>> -> memref<65536xf32, #tpu.memory_space<hbm>>
    tpu.wait_dma2 semaphore(%arg8 : memref<!tpu.dma_semaphore, #tpu.memory_space<semaphore_mem>>) src(%arg4 : memref<65536xf32, #tpu.memory_space<vmem>>) dst(%dma_wait3A_301 : memref<65536xf32, #tpu.memory_space<hbm>>)
    %dma_start3A_302 = arith.constant 786432 : i32
    %dma_start3A_303 = tpu.memref_slice %arg2[%add3A_33, %dma_start3A_302] : memref<64x1048576xf32, #tpu.memory_space<hbm>> -> memref<1x65536xf32, #tpu.memory_space<hbm>>
    %dma_start3A_304 = tpu.memref_squeeze %dma_start3A_303 : memref<1x65536xf32, #tpu.memory_space<hbm>> -> memref<65536xf32, #tpu.memory_space<hbm>>
    %dma_start3A_305 = arith.constant 786432 : i32
    %dma_start3A_306 = tpu.memref_slice %arg2[%add3A_33, %dma_start3A_305] : memref<64x1048576xf32, #tpu.memory_space<hbm>> -> memref<1x65536xf32, #tpu.memory_space<hbm>>
    %dma_start3A_307 = tpu.memref_squeeze %dma_start3A_306 : memref<1x65536xf32, #tpu.memory_space<hbm>> -> memref<65536xf32, #tpu.memory_space<hbm>>
    tpu.enqueue_dma source(%dma_start3A_307 : memref<65536xf32, #tpu.memory_space<hbm>>) target(%arg4 : memref<65536xf32, #tpu.memory_space<vmem>>) target_semaphore(%arg6 : memref<!tpu.dma_semaphore, #tpu.memory_space<semaphore_mem>>)
    %dma_wait3A_308 = arith.constant 720896 : i32
    %dma_wait3A_309 = tpu.memref_slice %arg2[%add3A_33, %dma_wait3A_308] : memref<64x1048576xf32, #tpu.memory_space<hbm>> -> memref<1x65536xf32, #tpu.memory_space<hbm>>
    %dma_wait3A_310 = tpu.memref_squeeze %dma_wait3A_309 : memref<1x65536xf32, #tpu.memory_space<hbm>> -> memref<65536xf32, #tpu.memory_space<hbm>>
    %dma_wait3A_311 = arith.constant 720896 : i32
    %dma_wait3A_312 = tpu.memref_slice %arg2[%add3A_33, %dma_wait3A_311] : memref<64x1048576xf32, #tpu.memory_space<hbm>> -> memref<1x65536xf32, #tpu.memory_space<hbm>>
    %dma_wait3A_313 = tpu.memref_squeeze %dma_wait3A_312 : memref<1x65536xf32, #tpu.memory_space<hbm>> -> memref<65536xf32, #tpu.memory_space<hbm>>
    tpu.wait_dma2 semaphore(%arg7 : memref<!tpu.dma_semaphore, #tpu.memory_space<semaphore_mem>>) src(%dma_wait3A_313 : memref<65536xf32, #tpu.memory_space<hbm>>) dst(%arg5 : memref<65536xf32, #tpu.memory_space<vmem>>)
    %dma_start3A_314 = arith.constant 720896 : i32
    %dma_start3A_315 = tpu.memref_slice %arg3[%add3A, %dma_start3A_314] : memref<32x1048576xf32, #tpu.memory_space<hbm>> -> memref<1x65536xf32, #tpu.memory_space<hbm>>
    %dma_start3A_316 = tpu.memref_squeeze %dma_start3A_315 : memref<1x65536xf32, #tpu.memory_space<hbm>> -> memref<65536xf32, #tpu.memory_space<hbm>>
    %dma_start3A_317 = arith.constant 720896 : i32
    %dma_start3A_318 = tpu.memref_slice %arg3[%add3A, %dma_start3A_317] : memref<32x1048576xf32, #tpu.memory_space<hbm>> -> memref<1x65536xf32, #tpu.memory_space<hbm>>
    %dma_start3A_319 = tpu.memref_squeeze %dma_start3A_318 : memref<1x65536xf32, #tpu.memory_space<hbm>> -> memref<65536xf32, #tpu.memory_space<hbm>>
    tpu.enqueue_dma source(%arg5 : memref<65536xf32, #tpu.memory_space<vmem>>) target(%dma_start3A_319 : memref<65536xf32, #tpu.memory_space<hbm>>) target_semaphore(%arg9 : memref<!tpu.dma_semaphore, #tpu.memory_space<semaphore_mem>>)
    %dma_wait3A_320 = arith.constant 720896 : i32
    %dma_wait3A_321 = tpu.memref_slice %arg3[%add3A, %dma_wait3A_320] : memref<32x1048576xf32, #tpu.memory_space<hbm>> -> memref<1x65536xf32, #tpu.memory_space<hbm>>
    %dma_wait3A_322 = tpu.memref_squeeze %dma_wait3A_321 : memref<1x65536xf32, #tpu.memory_space<hbm>> -> memref<65536xf32, #tpu.memory_space<hbm>>
    %dma_wait3A_323 = arith.constant 720896 : i32
    %dma_wait3A_324 = tpu.memref_slice %arg3[%add3A, %dma_wait3A_323] : memref<32x1048576xf32, #tpu.memory_space<hbm>> -> memref<1x65536xf32, #tpu.memory_space<hbm>>
    %dma_wait3A_325 = tpu.memref_squeeze %dma_wait3A_324 : memref<1x65536xf32, #tpu.memory_space<hbm>> -> memref<65536xf32, #tpu.memory_space<hbm>>
    tpu.wait_dma2 semaphore(%arg9 : memref<!tpu.dma_semaphore, #tpu.memory_space<semaphore_mem>>) src(%arg5 : memref<65536xf32, #tpu.memory_space<vmem>>) dst(%dma_wait3A_325 : memref<65536xf32, #tpu.memory_space<hbm>>)
    %dma_start3A_326 = arith.constant 851968 : i32
    %dma_start3A_327 = tpu.memref_slice %arg2[%add3A_33, %dma_start3A_326] : memref<64x1048576xf32, #tpu.memory_space<hbm>> -> memref<1x65536xf32, #tpu.memory_space<hbm>>
    %dma_start3A_328 = tpu.memref_squeeze %dma_start3A_327 : memref<1x65536xf32, #tpu.memory_space<hbm>> -> memref<65536xf32, #tpu.memory_space<hbm>>
    %dma_start3A_329 = arith.constant 851968 : i32
    %dma_start3A_330 = tpu.memref_slice %arg2[%add3A_33, %dma_start3A_329] : memref<64x1048576xf32, #tpu.memory_space<hbm>> -> memref<1x65536xf32, #tpu.memory_space<hbm>>
    %dma_start3A_331 = tpu.memref_squeeze %dma_start3A_330 : memref<1x65536xf32, #tpu.memory_space<hbm>> -> memref<65536xf32, #tpu.memory_space<hbm>>
    tpu.enqueue_dma source(%dma_start3A_331 : memref<65536xf32, #tpu.memory_space<hbm>>) target(%arg5 : memref<65536xf32, #tpu.memory_space<vmem>>) target_semaphore(%arg7 : memref<!tpu.dma_semaphore, #tpu.memory_space<semaphore_mem>>)
    %dma_wait3A_332 = arith.constant 786432 : i32
    %dma_wait3A_333 = tpu.memref_slice %arg2[%add3A_33, %dma_wait3A_332] : memref<64x1048576xf32, #tpu.memory_space<hbm>> -> memref<1x65536xf32, #tpu.memory_space<hbm>>
    %dma_wait3A_334 = tpu.memref_squeeze %dma_wait3A_333 : memref<1x65536xf32, #tpu.memory_space<hbm>> -> memref<65536xf32, #tpu.memory_space<hbm>>
    %dma_wait3A_335 = arith.constant 786432 : i32
    %dma_wait3A_336 = tpu.memref_slice %arg2[%add3A_33, %dma_wait3A_335] : memref<64x1048576xf32, #tpu.memory_space<hbm>> -> memref<1x65536xf32, #tpu.memory_space<hbm>>
    %dma_wait3A_337 = tpu.memref_squeeze %dma_wait3A_336 : memref<1x65536xf32, #tpu.memory_space<hbm>> -> memref<65536xf32, #tpu.memory_space<hbm>>
    tpu.wait_dma2 semaphore(%arg6 : memref<!tpu.dma_semaphore, #tpu.memory_space<semaphore_mem>>) src(%dma_wait3A_337 : memref<65536xf32, #tpu.memory_space<hbm>>) dst(%arg4 : memref<65536xf32, #tpu.memory_space<vmem>>)
    %dma_start3A_338 = arith.constant 786432 : i32
    %dma_start3A_339 = tpu.memref_slice %arg3[%add3A, %dma_start3A_338] : memref<32x1048576xf32, #tpu.memory_space<hbm>> -> memref<1x65536xf32, #tpu.memory_space<hbm>>
    %dma_start3A_340 = tpu.memref_squeeze %dma_start3A_339 : memref<1x65536xf32, #tpu.memory_space<hbm>> -> memref<65536xf32, #tpu.memory_space<hbm>>
    %dma_start3A_341 = arith.constant 786432 : i32
    %dma_start3A_342 = tpu.memref_slice %arg3[%add3A, %dma_start3A_341] : memref<32x1048576xf32, #tpu.memory_space<hbm>> -> memref<1x65536xf32, #tpu.memory_space<hbm>>
    %dma_start3A_343 = tpu.memref_squeeze %dma_start3A_342 : memref<1x65536xf32, #tpu.memory_space<hbm>> -> memref<65536xf32, #tpu.memory_space<hbm>>
    tpu.enqueue_dma source(%arg4 : memref<65536xf32, #tpu.memory_space<vmem>>) target(%dma_start3A_343 : memref<65536xf32, #tpu.memory_space<hbm>>) target_semaphore(%arg8 : memref<!tpu.dma_semaphore, #tpu.memory_space<semaphore_mem>>)
    %dma_wait3A_344 = arith.constant 786432 : i32
    %dma_wait3A_345 = tpu.memref_slice %arg3[%add3A, %dma_wait3A_344] : memref<32x1048576xf32, #tpu.memory_space<hbm>> -> memref<1x65536xf32, #tpu.memory_space<hbm>>
    %dma_wait3A_346 = tpu.memref_squeeze %dma_wait3A_345 : memref<1x65536xf32, #tpu.memory_space<hbm>> -> memref<65536xf32, #tpu.memory_space<hbm>>
    %dma_wait3A_347 = arith.constant 786432 : i32
    %dma_wait3A_348 = tpu.memref_slice %arg3[%add3A, %dma_wait3A_347] : memref<32x1048576xf32, #tpu.memory_space<hbm>> -> memref<1x65536xf32, #tpu.memory_space<hbm>>
    %dma_wait3A_349 = tpu.memref_squeeze %dma_wait3A_348 : memref<1x65536xf32, #tpu.memory_space<hbm>> -> memref<65536xf32, #tpu.memory_space<hbm>>
    tpu.wait_dma2 semaphore(%arg8 : memref<!tpu.dma_semaphore, #tpu.memory_space<semaphore_mem>>) src(%arg4 : memref<65536xf32, #tpu.memory_space<vmem>>) dst(%dma_wait3A_349 : memref<65536xf32, #tpu.memory_space<hbm>>)
    %dma_start3A_350 = arith.constant 917504 : i32
    %dma_start3A_351 = tpu.memref_slice %arg2[%add3A_33, %dma_start3A_350] : memref<64x1048576xf32, #tpu.memory_space<hbm>> -> memref<1x65536xf32, #tpu.memory_space<hbm>>
    %dma_start3A_352 = tpu.memref_squeeze %dma_start3A_351 : memref<1x65536xf32, #tpu.memory_space<hbm>> -> memref<65536xf32, #tpu.memory_space<hbm>>
    %dma_start3A_353 = arith.constant 917504 : i32
    %dma_start3A_354 = tpu.memref_slice %arg2[%add3A_33, %dma_start3A_353] : memref<64x1048576xf32, #tpu.memory_space<hbm>> -> memref<1x65536xf32, #tpu.memory_space<hbm>>
    %dma_start3A_355 = tpu.memref_squeeze %dma_start3A_354 : memref<1x65536xf32, #tpu.memory_space<hbm>> -> memref<65536xf32, #tpu.memory_space<hbm>>
    tpu.enqueue_dma source(%dma_start3A_355 : memref<65536xf32, #tpu.memory_space<hbm>>) target(%arg4 : memref<65536xf32, #tpu.memory_space<vmem>>) target_semaphore(%arg6 : memref<!tpu.dma_semaphore, #tpu.memory_space<semaphore_mem>>)
    %dma_wait3A_356 = arith.constant 851968 : i32
    %dma_wait3A_357 = tpu.memref_slice %arg2[%add3A_33, %dma_wait3A_356] : memref<64x1048576xf32, #tpu.memory_space<hbm>> -> memref<1x65536xf32, #tpu.memory_space<hbm>>
    %dma_wait3A_358 = tpu.memref_squeeze %dma_wait3A_357 : memref<1x65536xf32, #tpu.memory_space<hbm>> -> memref<65536xf32, #tpu.memory_space<hbm>>
    %dma_wait3A_359 = arith.constant 851968 : i32
    %dma_wait3A_360 = tpu.memref_slice %arg2[%add3A_33, %dma_wait3A_359] : memref<64x1048576xf32, #tpu.memory_space<hbm>> -> memref<1x65536xf32, #tpu.memory_space<hbm>>
    %dma_wait3A_361 = tpu.memref_squeeze %dma_wait3A_360 : memref<1x65536xf32, #tpu.memory_space<hbm>> -> memref<65536xf32, #tpu.memory_space<hbm>>
    tpu.wait_dma2 semaphore(%arg7 : memref<!tpu.dma_semaphore, #tpu.memory_space<semaphore_mem>>) src(%dma_wait3A_361 : memref<65536xf32, #tpu.memory_space<hbm>>) dst(%arg5 : memref<65536xf32, #tpu.memory_space<vmem>>)
    %dma_start3A_362 = arith.constant 851968 : i32
    %dma_start3A_363 = tpu.memref_slice %arg3[%add3A, %dma_start3A_362] : memref<32x1048576xf32, #tpu.memory_space<hbm>> -> memref<1x65536xf32, #tpu.memory_space<hbm>>
    %dma_start3A_364 = tpu.memref_squeeze %dma_start3A_363 : memref<1x65536xf32, #tpu.memory_space<hbm>> -> memref<65536xf32, #tpu.memory_space<hbm>>
    %dma_start3A_365 = arith.constant 851968 : i32
    %dma_start3A_366 = tpu.memref_slice %arg3[%add3A, %dma_start3A_365] : memref<32x1048576xf32, #tpu.memory_space<hbm>> -> memref<1x65536xf32, #tpu.memory_space<hbm>>
    %dma_start3A_367 = tpu.memref_squeeze %dma_start3A_366 : memref<1x65536xf32, #tpu.memory_space<hbm>> -> memref<65536xf32, #tpu.memory_space<hbm>>
    tpu.enqueue_dma source(%arg5 : memref<65536xf32, #tpu.memory_space<vmem>>) target(%dma_start3A_367 : memref<65536xf32, #tpu.memory_space<hbm>>) target_semaphore(%arg9 : memref<!tpu.dma_semaphore, #tpu.memory_space<semaphore_mem>>)
    %dma_wait3A_368 = arith.constant 851968 : i32
    %dma_wait3A_369 = tpu.memref_slice %arg3[%add3A, %dma_wait3A_368] : memref<32x1048576xf32, #tpu.memory_space<hbm>> -> memref<1x65536xf32, #tpu.memory_space<hbm>>
    %dma_wait3A_370 = tpu.memref_squeeze %dma_wait3A_369 : memref<1x65536xf32, #tpu.memory_space<hbm>> -> memref<65536xf32, #tpu.memory_space<hbm>>
    %dma_wait3A_371 = arith.constant 851968 : i32
    %dma_wait3A_372 = tpu.memref_slice %arg3[%add3A, %dma_wait3A_371] : memref<32x1048576xf32, #tpu.memory_space<hbm>> -> memref<1x65536xf32, #tpu.memory_space<hbm>>
    %dma_wait3A_373 = tpu.memref_squeeze %dma_wait3A_372 : memref<1x65536xf32, #tpu.memory_space<hbm>> -> memref<65536xf32, #tpu.memory_space<hbm>>
    tpu.wait_dma2 semaphore(%arg9 : memref<!tpu.dma_semaphore, #tpu.memory_space<semaphore_mem>>) src(%arg5 : memref<65536xf32, #tpu.memory_space<vmem>>) dst(%dma_wait3A_373 : memref<65536xf32, #tpu.memory_space<hbm>>)
    %dma_start3A_374 = arith.constant 983040 : i32
    %dma_start3A_375 = tpu.memref_slice %arg2[%add3A_33, %dma_start3A_374] : memref<64x1048576xf32, #tpu.memory_space<hbm>> -> memref<1x65536xf32, #tpu.memory_space<hbm>>
    %dma_start3A_376 = tpu.memref_squeeze %dma_start3A_375 : memref<1x65536xf32, #tpu.memory_space<hbm>> -> memref<65536xf32, #tpu.memory_space<hbm>>
    %dma_start3A_377 = arith.constant 983040 : i32
    %dma_start3A_378 = tpu.memref_slice %arg2[%add3A_33, %dma_start3A_377] : memref<64x1048576xf32, #tpu.memory_space<hbm>> -> memref<1x65536xf32, #tpu.memory_space<hbm>>
    %dma_start3A_379 = tpu.memref_squeeze %dma_start3A_378 : memref<1x65536xf32, #tpu.memory_space<hbm>> -> memref<65536xf32, #tpu.memory_space<hbm>>
    tpu.enqueue_dma source(%dma_start3A_379 : memref<65536xf32, #tpu.memory_space<hbm>>) target(%arg5 : memref<65536xf32, #tpu.memory_space<vmem>>) target_semaphore(%arg7 : memref<!tpu.dma_semaphore, #tpu.memory_space<semaphore_mem>>)
    %dma_wait3A_380 = arith.constant 917504 : i32
    %dma_wait3A_381 = tpu.memref_slice %arg2[%add3A_33, %dma_wait3A_380] : memref<64x1048576xf32, #tpu.memory_space<hbm>> -> memref<1x65536xf32, #tpu.memory_space<hbm>>
    %dma_wait3A_382 = tpu.memref_squeeze %dma_wait3A_381 : memref<1x65536xf32, #tpu.memory_space<hbm>> -> memref<65536xf32, #tpu.memory_space<hbm>>
    %dma_wait3A_383 = arith.constant 917504 : i32
    %dma_wait3A_384 = tpu.memref_slice %arg2[%add3A_33, %dma_wait3A_383] : memref<64x1048576xf32, #tpu.memory_space<hbm>> -> memref<1x65536xf32, #tpu.memory_space<hbm>>
    %dma_wait3A_385 = tpu.memref_squeeze %dma_wait3A_384 : memref<1x65536xf32, #tpu.memory_space<hbm>> -> memref<65536xf32, #tpu.memory_space<hbm>>
    tpu.wait_dma2 semaphore(%arg6 : memref<!tpu.dma_semaphore, #tpu.memory_space<semaphore_mem>>) src(%dma_wait3A_385 : memref<65536xf32, #tpu.memory_space<hbm>>) dst(%arg4 : memref<65536xf32, #tpu.memory_space<vmem>>)
    %dma_start3A_386 = arith.constant 917504 : i32
    %dma_start3A_387 = tpu.memref_slice %arg3[%add3A, %dma_start3A_386] : memref<32x1048576xf32, #tpu.memory_space<hbm>> -> memref<1x65536xf32, #tpu.memory_space<hbm>>
    %dma_start3A_388 = tpu.memref_squeeze %dma_start3A_387 : memref<1x65536xf32, #tpu.memory_space<hbm>> -> memref<65536xf32, #tpu.memory_space<hbm>>
    %dma_start3A_389 = arith.constant 917504 : i32
    %dma_start3A_390 = tpu.memref_slice %arg3[%add3A, %dma_start3A_389] : memref<32x1048576xf32, #tpu.memory_space<hbm>> -> memref<1x65536xf32, #tpu.memory_space<hbm>>
    %dma_start3A_391 = tpu.memref_squeeze %dma_start3A_390 : memref<1x65536xf32, #tpu.memory_space<hbm>> -> memref<65536xf32, #tpu.memory_space<hbm>>
    tpu.enqueue_dma source(%arg4 : memref<65536xf32, #tpu.memory_space<vmem>>) target(%dma_start3A_391 : memref<65536xf32, #tpu.memory_space<hbm>>) target_semaphore(%arg8 : memref<!tpu.dma_semaphore, #tpu.memory_space<semaphore_mem>>)
    %dma_wait3A_392 = arith.constant 983040 : i32
    %dma_wait3A_393 = tpu.memref_slice %arg2[%add3A_33, %dma_wait3A_392] : memref<64x1048576xf32, #tpu.memory_space<hbm>> -> memref<1x65536xf32, #tpu.memory_space<hbm>>
    %dma_wait3A_394 = tpu.memref_squeeze %dma_wait3A_393 : memref<1x65536xf32, #tpu.memory_space<hbm>> -> memref<65536xf32, #tpu.memory_space<hbm>>
    %dma_wait3A_395 = arith.constant 983040 : i32
    %dma_wait3A_396 = tpu.memref_slice %arg2[%add3A_33, %dma_wait3A_395] : memref<64x1048576xf32, #tpu.memory_space<hbm>> -> memref<1x65536xf32, #tpu.memory_space<hbm>>
    %dma_wait3A_397 = tpu.memref_squeeze %dma_wait3A_396 : memref<1x65536xf32, #tpu.memory_space<hbm>> -> memref<65536xf32, #tpu.memory_space<hbm>>
    tpu.wait_dma2 semaphore(%arg7 : memref<!tpu.dma_semaphore, #tpu.memory_space<semaphore_mem>>) src(%dma_wait3A_397 : memref<65536xf32, #tpu.memory_space<hbm>>) dst(%arg5 : memref<65536xf32, #tpu.memory_space<vmem>>)
    %dma_start3A_398 = arith.constant 983040 : i32
    %dma_start3A_399 = tpu.memref_slice %arg3[%add3A, %dma_start3A_398] : memref<32x1048576xf32, #tpu.memory_space<hbm>> -> memref<1x65536xf32, #tpu.memory_space<hbm>>
    %dma_start3A_400 = tpu.memref_squeeze %dma_start3A_399 : memref<1x65536xf32, #tpu.memory_space<hbm>> -> memref<65536xf32, #tpu.memory_space<hbm>>
    %dma_start3A_401 = arith.constant 983040 : i32
    %dma_start3A_402 = tpu.memref_slice %arg3[%add3A, %dma_start3A_401] : memref<32x1048576xf32, #tpu.memory_space<hbm>> -> memref<1x65536xf32, #tpu.memory_space<hbm>>
    %dma_start3A_403 = tpu.memref_squeeze %dma_start3A_402 : memref<1x65536xf32, #tpu.memory_space<hbm>> -> memref<65536xf32, #tpu.memory_space<hbm>>
    tpu.enqueue_dma source(%arg5 : memref<65536xf32, #tpu.memory_space<vmem>>) target(%dma_start3A_403 : memref<65536xf32, #tpu.memory_space<hbm>>) target_semaphore(%arg9 : memref<!tpu.dma_semaphore, #tpu.memory_space<semaphore_mem>>)
    %dma_wait3A_404 = arith.constant 917504 : i32
    %dma_wait3A_405 = tpu.memref_slice %arg3[%add3A, %dma_wait3A_404] : memref<32x1048576xf32, #tpu.memory_space<hbm>> -> memref<1x65536xf32, #tpu.memory_space<hbm>>
    %dma_wait3A_406 = tpu.memref_squeeze %dma_wait3A_405 : memref<1x65536xf32, #tpu.memory_space<hbm>> -> memref<65536xf32, #tpu.memory_space<hbm>>
    %dma_wait3A_407 = arith.constant 917504 : i32
    %dma_wait3A_408 = tpu.memref_slice %arg3[%add3A, %dma_wait3A_407] : memref<32x1048576xf32, #tpu.memory_space<hbm>> -> memref<1x65536xf32, #tpu.memory_space<hbm>>
    %dma_wait3A_409 = tpu.memref_squeeze %dma_wait3A_408 : memref<1x65536xf32, #tpu.memory_space<hbm>> -> memref<65536xf32, #tpu.memory_space<hbm>>
    tpu.wait_dma2 semaphore(%arg8 : memref<!tpu.dma_semaphore, #tpu.memory_space<semaphore_mem>>) src(%arg4 : memref<65536xf32, #tpu.memory_space<vmem>>) dst(%dma_wait3A_409 : memref<65536xf32, #tpu.memory_space<hbm>>)
    %dma_wait3A_410 = arith.constant 983040 : i32
    %dma_wait3A_411 = tpu.memref_slice %arg3[%add3A, %dma_wait3A_410] : memref<32x1048576xf32, #tpu.memory_space<hbm>> -> memref<1x65536xf32, #tpu.memory_space<hbm>>
    %dma_wait3A_412 = tpu.memref_squeeze %dma_wait3A_411 : memref<1x65536xf32, #tpu.memory_space<hbm>> -> memref<65536xf32, #tpu.memory_space<hbm>>
    %dma_wait3A_413 = arith.constant 983040 : i32
    %dma_wait3A_414 = tpu.memref_slice %arg3[%add3A, %dma_wait3A_413] : memref<32x1048576xf32, #tpu.memory_space<hbm>> -> memref<1x65536xf32, #tpu.memory_space<hbm>>
    %dma_wait3A_415 = tpu.memref_squeeze %dma_wait3A_414 : memref<1x65536xf32, #tpu.memory_space<hbm>> -> memref<65536xf32, #tpu.memory_space<hbm>>
    tpu.wait_dma2 semaphore(%arg9 : memref<!tpu.dma_semaphore, #tpu.memory_space<semaphore_mem>>) src(%arg5 : memref<65536xf32, #tpu.memory_space<vmem>>) dst(%dma_wait3A_415 : memref<65536xf32, #tpu.memory_space<hbm>>)
    return
  }
}

</mosaic_0001>

<sc_bundles>
// kernel: kernel.3.cloned.1.call-start
scs
__scs_entry_jumppad:
0x0: {  	(pc) =	sbr.rel $0x88, $3  }
0x1: {  	(tag) =	ssettag $0x0;
	lr =	simm.s32 $0x1  }
0x2: {  	[smem:$0x3FA0] =	sst lr;
	_ =	strace $0xD0000000  }
0x3: {  	_ = 	snop  }
0x4: {  	_ = 	snop  }
0x5: {  	_ = 	snop  }
0x6: {  	_ = 	snop  }
0x7: {  	_ = 	snop  }
__scs_overlays_trampoline_lowered:
0x8: {  	[smem:$0x3FAF] =	sst s0  }
0x9: {  	[smem:$0x3FB0] =	sst s1  }
0xa: {  	[smem:$0x3FB1] =	sst s2  }
0xb: {  	[smem:$0x3FB2] =	sst s3  }
0xc: {  	[smem:$0x3FB3] =	sst s4  }
0xd: {  	[smem:$0x3FB4] =	sst s5  }
0xe: {  	[smem:$0x3FB5] =	sst s6  }
0xf: {  	[smem:$0x3FB6] =	sst s7  }
0x10: {  	[smem:$0x3FB7] =	sst s8  }
0x11: {  	[smem:$0x3FB8] =	sst s9;
	s0 =	simm.s32 @!p0 $0x0  }
0x12: {  	s1 =	sld [smem:$0x3F9E];
	s0 =	simm.s32 @p0 $0x1  }
0x13: {  	[smem:$0x3FB9] =	sst s0;
	s0 =	simm.s32 @!p1 $0x0  }
0x14: {  	s2 =	sld [smem:$0x3F9D];
	s0 =	simm.s32 @p1 $0x1  }
0x15: {  	[smem:$0x3FBA] =	sst s0;
	s0 =	simm.s32 @!p2 $0x0  }
0x16: {  	s3 =	sld [smem:$0x3FDB];
	s0 =	simm.s32 @p2 $0x1  }
0x17: {  	s4 =	simm.s32 $0x1BF5;
	[smem:$0x3FBC] =	sst s0  }
0x18: {  	s0 =	sld [smem:$0x3F9F];
	_ =	swait.ge [sflag:s4], $0x0  }
0x19: {  	s7 =	sld [smem:$0x3FA0]  }
0x1a: {  	s8 =	sadd.s32 $0xFFFFE003, lr  }
0x1b: {  	s9 =	sadd.s32 $0xFFFFFEF7, lr;
	s5 =	simm.s32 $0xFFFFFFFF;
	p2 =	slt.u32 s8, $0xFFFFF086  }
0x1c: {  	p1 =	slt.u32 s9, $0xF7A;
	s5 =	simm.s32 @!p2 $0x0  }
0x1d: {  	s5 =	simm.s32 @p1 $0x1;
	p0 =	seq.s32 s7, s2  }
0x1e: {  	s7 =	smul.u32 @!p0 $0xF7A, s2;
	p2 =	seq.s32 @!p0 s5, $0x0  }
0x1f: {  	s9 =	smul.u32 $0xF7A, s1;
	s8 =	simm.s32 @!p0 $0x1BF5;
	p2 =	por !p2, p0  }
0x20: {  	[sflag:s8] =	ssyncset.s32 @!p0 $0xFFFFF086;
	s6 =	sadd.s32 @!p0 s3, s7;
	s7 =	simm.s32 @!p0 $0x108  }
0x21: {  	s3 =	sadd.s32 s3, s9;
	s6 =	sadd.s32 @!p0 $0x88, s6;
	s7 =	simm.s32 @p2 $0x1082  }
0x22: {  	[simem:s7], [sflag:s8] =	dma.local @!p0 [hbm:s6], $0xF7A  }
0x23: {  	s9 =	sor.u32 $0xD0000000, s2;
	s6 =	simm.s32 $0x108;
	_ =	swait.ge @!p0 [sflag:s8], $0x0  }
0x24: {  	s3 =	sadd.s32 $0x88, s3;
	s6 =	simm.s32 @!p1 $0x1082;
	[sflag:s4] =	ssyncset.s32 $0xFFFFF086  }
0x25: {  	[simem:s6], [sflag:s4] =	dma.local [hbm:s3], $0xF7A  }
0x26: {  	[smem:$0x3FA0] =	sst s1;
	(tag) =	ssettag s2;
	_ =	strace s9  }
0x27: {  	s1 =	sld [smem:$0x3FB0]  }
0x28: {  	s2 =	sld [smem:$0x3FB1]  }
0x29: {  	s4 =	sld [smem:$0x3FB3]  }
0x2a: {  	p0 =	seq.s32 s5, $0x0;
	s5 =	sld [smem:$0x3FB4]  }
0x2b: {  	s6 =	sld [smem:$0x3FB5]  }
0x2c: {  	s7 =	sld [smem:$0x3FB6]  }
0x2d: {  	s3 =	simm.s32 $0x108;
	s8 =	sld [smem:$0x3FB7]  }
0x2e: {  	s3 =	simm.s32 @!p0 $0x1082;
	s9 =	sld [smem:$0x3FB8]  }
0x2f: {  	lr =	sadd.s32 s0, s3;
	s0 =	sld [smem:$0x3FAF]  }
0x30: {  	s3 =	sld [smem:$0x3FB2]  }
0x31: {  	[smem:$0x3FBB] =	sst s10  }
0x32: {  	s10 =	sld [smem:$0x3FB9];
	_ =	sdelay $0x3  }
0x33: {  	p0 =	seq.s32 s10, $0x1;
	s10 =	sld [smem:$0x3FBB];
	_ =	sdelay $0x3  }
0x34: {  	[smem:$0x3FBB] =	sst s10  }
0x35: {  	s10 =	sld [smem:$0x3FBA];
	_ =	sdelay $0x3  }
0x36: {  	p1 =	seq.s32 s10, $0x1;
	s10 =	sld [smem:$0x3FBB];
	_ =	sdelay $0x3  }
0x37: {  	[smem:$0x3FBB] =	sst s10  }
0x38: {  	s10 =	sld [smem:$0x3FBC]  }
0x39: {  	_ = 	snop;
	(pc) =	sbr.ind lr, $3  }
0x3a: {  	_ = 	snop  }
0x3b: {  	_ = 	snop  }
0x3c: {  	p2 =	seq.s32 s10, $0x1;
	s10 =	sld [smem:$0x3FBB]  }
0x3d: {  	_ =	shalt  }
0x3e: {  	_ =	shalt  }
0x3f: {  	_ =	shalt  }
0x40: {  	_ =	shalt  }
0x41: {  	_ =	shalt  }
0x42: {  	_ =	shalt  }
0x43: {  	_ =	shalt  }
0x44: {  	_ =	shalt  }
0x45: {  	_ =	shalt  }
0x46: {  	_ =	shalt  }
0x47: {  	_ =	shalt  }
0x48: {  	_ =	shalt  }
0x49: {  	_ =	shalt  }
0x4a: {  	_ =	shalt  }
0x4b: {  	_ =	shalt  }
0x4c: {  	_ =	shalt  }
0x4d: {  	_ =	shalt  }
0x4e: {  	_ =	shalt  }
0x4f: {  	_ =	shalt  }
0x50: {  	_ =	shalt  }
0x51: {  	_ =	shalt  }
0x52: {  	_ =	shalt  }
0x53: {  	_ =	shalt  }
0x54: {  	_ =	shalt  }
0x55: {  	_ =	shalt  }
0x56: {  	_ =	shalt  }
0x57: {  	_ =	shalt  }
0x58: {  	_ =	shalt  }
0x59: {  	_ =	shalt  }
0x5a: {  	_ =	shalt  }
0x5b: {  	_ =	shalt  }
0x5c: {  	_ =	shalt  }
0x5d: {  	_ =	shalt  }
0x5e: {  	_ =	shalt  }
0x5f: {  	_ =	shalt  }
0x60: {  	_ =	shalt  }
0x61: {  	_ =	shalt  }
0x62: {  	_ =	shalt  }
0x63: {  	_ =	shalt  }
0x64: {  	_ =	shalt  }
0x65: {  	_ =	shalt  }
0x66: {  	_ =	shalt  }
0x67: {  	_ =	shalt  }
0x68: {  	_ =	shalt  }
0x69: {  	_ =	shalt  }
0x6a: {  	_ =	shalt  }
0x6b: {  	_ =	shalt  }
0x6c: {  	_ =	shalt  }
0x6d: {  	_ =	shalt  }
0x6e: {  	_ =	shalt  }
0x6f: {  	_ =	shalt  }
0x70: {  	_ =	shalt  }
0x71: {  	_ =	shalt  }
0x72: {  	_ =	shalt  }
0x73: {  	_ =	shalt  }
0x74: {  	_ =	shalt  }
0x75: {  	_ =	shalt  }
0x76: {  	_ =	shalt  }
0x77: {  	_ =	shalt  }
0x78: {  	_ =	shalt  }
0x79: {  	_ =	shalt  }
0x7a: {  	_ =	shalt  }
0x7b: {  	_ =	shalt  }
0x7c: {  	_ =	shalt  }
0x7d: {  	_ =	shalt  }
0x7e: {  	_ =	shalt  }
0x7f: {  	_ =	shalt  }
0x80: {  	_ =	shalt  }
0x81: {  	_ =	shalt  }
0x82: {  	_ =	shalt  }
0x83: {  	_ =	shalt  }
0x84: {  	_ =	shalt  }
0x85: {  	_ =	shalt  }
0x86: {  	_ =	shalt  }
0x87: {  	_ =	shalt  }
.Lfunc_end0:
.L_simem_size_0:
called_computation_lowered:
.L_overlay_start_0:
0x88: {  	s2 =	sld [smem:$0x3FD9]  }
0x89: {  	s3 =	sld [smem:$0x3FFE];
	_ =	sdelay $0x1  }
0x8a: {  	s1 =	srdreg.scid  }
0x8b: {  	s0 =	sand.u32 $0x1, s1  }
0x8c: {  	s16 =	sshll.u32 s0, $0xA;
	s2 =	sadd.s32 s3, s2  }
0x8d: {  	s2 =	sadd.s32 s2, s16  }
0x8e: {  	[smem:$0x3FC7] =	sst s2  }
0x8f: {  	_ = 	snop  }
0x90: {  	(tm) =	ssettm $0x1  }
0x91: {  	s17 =	sld [smem:$0x3FFB];
	_ =	sdelay $0x3  }
0x92: {  	_ =	strace s17  }
0x93: {  	s2 =	sld [smem:$0x3FFC];
	_ =	sdelay $0x3  }
0x94: {  	_ =	strace s2  }
0x95: {  	s2 =	sld [smem:$0x3FFD];
	_ =	sdelay $0x3  }
0x96: {  	_ =	strace s2  }
0x97: {  	_ =	strace $0x8FFFFFFF  }
0x98: {  	s18 =	sld [smem:$0x3FDB];
	_ =	sdelay $0x1  }
0x99: {  	s19 =	simm.s32 $_scs_section_size  }
0x9a: {  	s4 =	simm.s32 $_size__tile_overlayer_lowered;
	s5 =	simm.s32 $_tile_overlayer_lowered  }
0x9b: {  	s22 =	simm.s32 $0x1BFF;
	s21 =	sshll.u32 s5, $0x1;
	s2 =	sadd.s32 s19, s18  }
0x9c: {  	s6 =	simm.s32 $0x0;
	s20 =	sshll.u32 s4, $0x1;
	s4 =	sadd.s32 s21, s2  }
0x9d: {  	[timem:s6], [sflag:s22] =	dma.local [hbm:s4], s20  }
0x9e: {  	_ =	swait.ge [sflag:s22], s20  }
0x9f: {  	s3 =	ssub.s32 $0x0, s20;
	[sflag:s22] =	ssyncset.done $0x0  }
0xa0: {  	[sflag:s22] =	ssyncadd.s32 s3;
	_ =	sdelay $0x1  }
0xa1: {  	s23 =	simm.s32 $0x1B8B  }
0xa2: {  	_ =	swait.ge [sflag:s23], $0x1  }
0xa3: {  	[sflag:s23] =	ssyncset.done $0x0  }
0xa4: {  	s25 =	simm.s32 $0x1B8E;
	s24 =	sld [smem:$0x3FFE];
	[sflag:s23] =	ssyncadd.s32 $0xFFFFFFFF  }
0xa5: {  	s26 =	simm.s32 $execute0_lowered;
	[smem:$0x3FD2] =	sst s25  }
0xa6: {  	s4 =	sshll.u32 s26, $0x1;
	_ =	strace $0x80000046;
	[dreg:$0x1] =	wrdreg $0xFFFFFFFF  }
0xa7: {  	s28 =	simm.s32 $_size_execute0_lowered;
	s2 =	sadd.s32 s2, s4;
	[dreg:$0x0] =	wrdreg $0x0  }
0xa8: {  	s4 =	sshll.u32 s28, $0x1;
	[dreg:$0x2] =	wrdreg s2  }
0xa9: {  	[dreg:$0x3] =	wrdreg s4  }
0xaa: {  	[dreg:$0x4] =	wrdreg $0xC0  }
0xab: {  	_ =	task [dreg:s6], $0x5FFFF  }
0xac: {  	[dreg:$0x1] =	wrdreg $0xFFFFFFFF  }
0xad: {  	[dreg:$0x0] =	wrdreg $0x60  }
0xae: {  	[dreg:$0x2] =	wrdreg s24  }
0xaf: {  	[dreg:$0x3] =	wrdreg $0x9  }
0xb0: {  	_ =	task.clear_ibuf [dreg:s6], $0x4FFFF;
	_ =	strace $0x90000046  }
0xb1: {  	s29 =	simm.s32 $0x9;
	_ =	strace $0x80000048  }
0xb2: {  	_ =	swait.ge [sflag:s29], $0x1  }
0xb3: {  	[sflag:s29] =	ssyncadd.s32 $0xFFFFFFFF  }
0xb4: {  	_ =	strace $0x90000048  }
0xb5: {  	_ =	sfence  }
0xb6: {  	s30 =	sld [smem:$0x0];
	_ =	sdelay $0x2  }
0xb7: {  	s31 =	sshll.u32 s1, $0xD;
	s1 =	sshrl.u32 s1, $0x2  }
0xb8: {  	s3 =	sand.u32 $0x4000, s31;
	s1 =	sadd.s32 s1, s30  }
0xb9: {  	s0 =	sor.u32 s3, s0;
	s1 =	sshll.u32 s1, $0x11  }
0xba: {  	s0 =	sor.u32 s1, s0  }
0xbb: {  	s0 =	sadd.s32 $0x8F2B, s0  }
0xbc: {  	[sflag:s0] =	ssyncadd.remote.s32 $0x1  }
0xbd: {  	_ =	sfence.sel $0xFFFF  }
0xbe: {  	[dreg:$0x0] =	wrdreg $0xFFFFFFFF;
	(pc) =	sbr.abs _section_cstart, $3  }
0xbf: {  	[dreg:$0x1] =	wrdreg $0xFFFFFFFF  }
0xc0: {  	_ =	task.clear_ibuf [dreg:s6], $0x2FFFF;
	_ =	strace $0x9FFFFFFF  }
0xc1: {  	(tm) =	ssettm $0x7FFFFFFF  }
tec
execute0_lowered:
.L_overlay_start_1:
0x0: {  	(tag) =	ssettag $0x1  }
0x1: {  	s0 =	srdreg.scid;
	s2 =	stileid.u32  }
0x2: {  	s1 =	sand.u32 $0x1, s0;
	s7 =	sshll.u32 s2, $0x1  }
0x3: {  	s0 =	sor.u32 s1, s7  }
0x4: {  	s2 =	sshll.u32 s2, $0x16;
	s29 =	sshll.u32 s0, $0x7  }
0x5: {  	s4 =	sor.u32 s2, s29  }
0x6: {  	s4 =	sand.u32 $0x3800180, s4  }
0x7: {  	s3 =	rddreg [dreg:$0x0];
	s4 =	sshrl.u32 s4, $0x3  }
0x8: {  	s30 =	sshll.u32 s0, $0x14;
	s2 =	simm.s32 $0x0;
	s0 =	sadd.s32 s4, s3  }
0x9: {  	[smem:$0x7FF] =	sst s2;
	s9 =	sadd.s32 $0x400, s0  }
0xa: {  	_ =	strace $0x80000047;
	s10 =	sadd.s32 $0x10400, s0;
	[dreg:$0x2] =	wrdreg s9  }
0xb: {  	s11 =	sadd.s32 $0x20400, s0;
	[dreg:$0x3] =	wrdreg s10  }
0xc: {  	s13 =	sadd.s32 $0x30400, s0;
	[dreg:$0x4] =	wrdreg s11  }
0xd: {  	s15 =	sadd.s32 $0x40400, s0;
	[dreg:$0x6] =	wrdreg s13  }
0xe: {  	s8 =	sor.u32 s29, s30;
	s17 =	sadd.s32 $0x50400, s0;
	[dreg:$0x8] =	wrdreg s15  }
0xf: {  	s4 =	sand.u32 $0x1800380, s8;
	s7 =	sadd.s32 $0x60400, s0;
	[dreg:$0xa] =	wrdreg s17  }
0x10: {  	s31 =	sadd.s32 $0x800400, s3;
	s4 =	sshrl.u32 s4, $0x3;
	[dreg:$0xc] =	wrdreg s7  }
0x11: {  	s3 =	sadd.s32 s31, s4;
	s6 =	rddreg [dreg:$0x2]  }
0x12: {  	s12 =	sadd.s32 $0x10000, s3;
	s8 =	rddreg [dreg:$0x3]  }
0x13: {  	s14 =	sadd.s32 $0x20000, s3;
	[dreg:$0x5] =	wrdreg s12  }
0x14: {  	s5 =	simm.s32 $0x400;
	s16 =	sadd.s32 $0x30000, s3;
	[dreg:$0x7] =	wrdreg s14  }
0x15: {  	s4 =	simm.s32 $0x80;
	s18 =	sadd.s32 $0x40000, s3;
	[dreg:$0x9] =	wrdreg s16  }
0x16: {  	[tilespmem:s2], [sflag:$0x1] =	stream.strided.gather [hbm4b:s6+s4], $0x10000, s5, s4, $0x38;
	v63 =	vld [tilespmem:$0x0]  }
0x17: {  	s7 =	simm.s32 $0x1;
	[dreg:$0xb] =	wrdreg s18;
	s6 =	simm.s32 $0x10000  }
0x18: {  	[tilespmem:s6], [sflag:$0x2] =	stream.strided.gather [hbm4b:s8+s4], $0x10000, s5, s4, $0x38;
	v63 =	vld [tilespmem:$0x0]  }
0x19: {  	_ =	swait.ge [sflag:s7], $0x10000  }
0x1a: {  	[sflag:s7] =	ssyncset.done $0x0  }
0x1b: {  	s8 =	simm.s32 $0x3;
	[sflag:s7] =	ssyncadd.s32 $0xFFFF0000  }
0x1c: {  	[hbm4b:s3+s4] =	stream.strided.scatter [tilespmem:s2], [sflag:$0x3], $0x10000, s5, s4, $0x38;
	v63 =	vld [tilespmem:$0x0]  }
0x1d: {  	_ =	swait.ge [sflag:s8], $0x10000  }
0x1e: {  	[sflag:s8] =	ssyncset.done $0x0  }
0x1f: {  	s9 =	simm.s32 $0x2;
	s10 =	rddreg [dreg:$0x4];
	[sflag:s8] =	ssyncadd.s32 $0xFFFF0000  }
0x20: {  	[tilespmem:s2], [sflag:$0x1] =	stream.strided.gather [hbm4b:s10+s4], $0x10000, s5, s4, $0x38;
	v63 =	vld [tilespmem:$0x0]  }
0x21: {  	_ =	swait.ge [sflag:s9], $0x10000  }
0x22: {  	[sflag:s9] =	ssyncset.done $0x0  }
0x23: {  	s10 =	simm.s32 $0x4;
	s11 =	rddreg [dreg:$0x5];
	[sflag:s9] =	ssyncadd.s32 $0xFFFF0000  }
0x24: {  	[hbm4b:s11+s4] =	stream.strided.scatter [tilespmem:s6], [sflag:$0x4], $0x10000, s5, s4, $0x38;
	v63 =	vld [tilespmem:$0x0]  }
0x25: {  	_ =	swait.ge [sflag:s10], $0x10000  }
0x26: {  	[sflag:s10] =	ssyncset.done $0x0  }
0x27: {  	s19 =	rddreg [dreg:$0x6];
	[sflag:s10] =	ssyncadd.s32 $0xFFFF0000  }
0x28: {  	[tilespmem:s6], [sflag:$0x2] =	stream.strided.gather [hbm4b:s19+s4], $0x10000, s5, s4, $0x38;
	v63 =	vld [tilespmem:$0x0]  }
0x29: {  	_ =	swait.ge [sflag:s7], $0x10000  }
0x2a: {  	[sflag:s7] =	ssyncset.done $0x0  }
0x2b: {  	s20 =	rddreg [dreg:$0x7];
	[sflag:s7] =	ssyncadd.s32 $0xFFFF0000  }
0x2c: {  	[hbm4b:s20+s4] =	stream.strided.scatter [tilespmem:s2], [sflag:$0x3], $0x10000, s5, s4, $0x38;
	v63 =	vld [tilespmem:$0x0]  }
0x2d: {  	_ =	swait.ge [sflag:s8], $0x10000  }
0x2e: {  	[sflag:s8] =	ssyncset.done $0x0  }
0x2f: {  	s21 =	rddreg [dreg:$0x8];
	[sflag:s8] =	ssyncadd.s32 $0xFFFF0000  }
0x30: {  	[tilespmem:s2], [sflag:$0x1] =	stream.strided.gather [hbm4b:s21+s4], $0x10000, s5, s4, $0x38;
	v63 =	vld [tilespmem:$0x0]  }
0x31: {  	_ =	swait.ge [sflag:s9], $0x10000  }
0x32: {  	[sflag:s9] =	ssyncset.done $0x0  }
0x33: {  	s22 =	rddreg [dreg:$0x9];
	[sflag:s9] =	ssyncadd.s32 $0xFFFF0000  }
0x34: {  	[hbm4b:s22+s4] =	stream.strided.scatter [tilespmem:s6], [sflag:$0x4], $0x10000, s5, s4, $0x38;
	v63 =	vld [tilespmem:$0x0]  }
0x35: {  	_ =	swait.ge [sflag:s10], $0x10000  }
0x36: {  	[sflag:s10] =	ssyncset.done $0x0  }
0x37: {  	s23 =	rddreg [dreg:$0xa];
	[sflag:s10] =	ssyncadd.s32 $0xFFFF0000  }
0x38: {  	[tilespmem:s6], [sflag:$0x2] =	stream.strided.gather [hbm4b:s23+s4], $0x10000, s5, s4, $0x38;
	v63 =	vld [tilespmem:$0x0]  }
0x39: {  	_ =	swait.ge [sflag:s7], $0x10000  }
0x3a: {  	[sflag:s7] =	ssyncset.done $0x0  }
0x3b: {  	s24 =	rddreg [dreg:$0xb];
	[sflag:s7] =	ssyncadd.s32 $0xFFFF0000  }
0x3c: {  	[hbm4b:s24+s4] =	stream.strided.scatter [tilespmem:s2], [sflag:$0x3], $0x10000, s5, s4, $0x38;
	v63 =	vld [tilespmem:$0x0]  }
0x3d: {  	_ =	swait.ge [sflag:s8], $0x10000  }
0x3e: {  	[sflag:s8] =	ssyncset.done $0x0  }
0x3f: {  	s25 =	rddreg [dreg:$0xc];
	[sflag:s8] =	ssyncadd.s32 $0xFFFF0000  }
0x40: {  	[tilespmem:s2], [sflag:$0x1] =	stream.strided.gather [hbm4b:s25+s4], $0x10000, s5, s4, $0x38;
	v63 =	vld [tilespmem:$0x0]  }
0x41: {  	_ =	swait.ge [sflag:s9], $0x10000  }
0x42: {  	s26 =	sadd.s32 $0x50000, s3;
	[sflag:s9] =	ssyncset.done $0x0  }
0x43: {  	[dreg:$0xd] =	wrdreg s26;
	[sflag:s9] =	ssyncadd.s32 $0xFFFF0000  }
0x44: {  	[hbm4b:s26+s4] =	stream.strided.scatter [tilespmem:s6], [sflag:$0x4], $0x10000, s5, s4, $0x38;
	v63 =	vld [tilespmem:$0x0]  }
0x45: {  	_ =	swait.ge [sflag:s10], $0x10000  }
0x46: {  	[sflag:s10] =	ssyncset.done $0x0  }
0x47: {  	s11 =	sadd.s32 $0x70400, s0;
	[sflag:s10] =	ssyncadd.s32 $0xFFFF0000  }
0x48: {  	[tilespmem:s6], [sflag:$0x2] =	stream.strided.gather [hbm4b:s11+s4], $0x10000, s5, s4, $0x38;
	v63 =	vld [tilespmem:$0x0]  }
0x49: {  	_ =	swait.ge [sflag:s7], $0x10000  }
0x4a: {  	[sflag:s7] =	ssyncset.done $0x0  }
0x4b: {  	s13 =	sadd.s32 $0x60000, s3;
	[sflag:s7] =	ssyncadd.s32 $0xFFFF0000  }
0x4c: {  	[hbm4b:s13+s4] =	stream.strided.scatter [tilespmem:s2], [sflag:$0x3], $0x10000, s5, s4, $0x38;
	v63 =	vld [tilespmem:$0x0]  }
0x4d: {  	_ =	swait.ge [sflag:s8], $0x10000  }
0x4e: {  	[sflag:s8] =	ssyncset.done $0x0  }
0x4f: {  	s14 =	sadd.s32 $0x80400, s0;
	[sflag:s8] =	ssyncadd.s32 $0xFFFF0000  }
0x50: {  	[tilespmem:s2], [sflag:$0x1] =	stream.strided.gather [hbm4b:s14+s4], $0x10000, s5, s4, $0x38;
	v63 =	vld [tilespmem:$0x0]  }
0x51: {  	_ =	swait.ge [sflag:s9], $0x10000  }
0x52: {  	[sflag:s9] =	ssyncset.done $0x0  }
0x53: {  	s15 =	sadd.s32 $0x70000, s3;
	[sflag:s9] =	ssyncadd.s32 $0xFFFF0000  }
0x54: {  	[hbm4b:s15+s4] =	stream.strided.scatter [tilespmem:s6], [sflag:$0x4], $0x10000, s5, s4, $0x38;
	v63 =	vld [tilespmem:$0x0]  }
0x55: {  	_ =	swait.ge [sflag:s10], $0x10000  }
0x56: {  	[sflag:s10] =	ssyncset.done $0x0  }
0x57: {  	s16 =	sadd.s32 $0x90400, s0;
	[sflag:s10] =	ssyncadd.s32 $0xFFFF0000  }
0x58: {  	[tilespmem:s6], [sflag:$0x2] =	stream.strided.gather [hbm4b:s16+s4], $0x10000, s5, s4, $0x38;
	v63 =	vld [tilespmem:$0x0]  }
0x59: {  	_ =	swait.ge [sflag:s7], $0x10000  }
0x5a: {  	[sflag:s7] =	ssyncset.done $0x0  }
0x5b: {  	s17 =	sadd.s32 $0x80000, s3;
	[sflag:s7] =	ssyncadd.s32 $0xFFFF0000  }
0x5c: {  	[hbm4b:s17+s4] =	stream.strided.scatter [tilespmem:s2], [sflag:$0x3], $0x10000, s5, s4, $0x38;
	v63 =	vld [tilespmem:$0x0]  }
0x5d: {  	_ =	swait.ge [sflag:s8], $0x10000  }
0x5e: {  	[sflag:s8] =	ssyncset.done $0x0  }
0x5f: {  	s18 =	sadd.s32 $0xA0400, s0;
	[sflag:s8] =	ssyncadd.s32 $0xFFFF0000  }
0x60: {  	[tilespmem:s2], [sflag:$0x1] =	stream.strided.gather [hbm4b:s18+s4], $0x10000, s5, s4, $0x38;
	v63 =	vld [tilespmem:$0x0]  }
0x61: {  	_ =	swait.ge [sflag:s9], $0x10000  }
0x62: {  	[sflag:s9] =	ssyncset.done $0x0  }
0x63: {  	s19 =	sadd.s32 $0x90000, s3;
	[sflag:s9] =	ssyncadd.s32 $0xFFFF0000  }
0x64: {  	[hbm4b:s19+s4] =	stream.strided.scatter [tilespmem:s6], [sflag:$0x4], $0x10000, s5, s4, $0x38;
	v63 =	vld [tilespmem:$0x0]  }
0x65: {  	_ =	swait.ge [sflag:s10], $0x10000  }
0x66: {  	[sflag:s10] =	ssyncset.done $0x0  }
0x67: {  	s20 =	sadd.s32 $0xB0400, s0;
	[sflag:s10] =	ssyncadd.s32 $0xFFFF0000  }
0x68: {  	[tilespmem:s6], [sflag:$0x2] =	stream.strided.gather [hbm4b:s20+s4], $0x10000, s5, s4, $0x38;
	v63 =	vld [tilespmem:$0x0]  }
0x69: {  	_ =	swait.ge [sflag:s7], $0x10000  }
0x6a: {  	[sflag:s7] =	ssyncset.done $0x0  }
0x6b: {  	s21 =	sadd.s32 $0xA0000, s3;
	[sflag:s7] =	ssyncadd.s32 $0xFFFF0000  }
0x6c: {  	[hbm4b:s21+s4] =	stream.strided.scatter [tilespmem:s2], [sflag:$0x3], $0x10000, s5, s4, $0x38;
	v63 =	vld [tilespmem:$0x0]  }
0x6d: {  	_ =	swait.ge [sflag:s8], $0x10000  }
0x6e: {  	[sflag:s8] =	ssyncset.done $0x0  }
0x6f: {  	s22 =	sadd.s32 $0xC0400, s0;
	[sflag:s8] =	ssyncadd.s32 $0xFFFF0000  }
0x70: {  	[tilespmem:s2], [sflag:$0x1] =	stream.strided.gather [hbm4b:s22+s4], $0x10000, s5, s4, $0x38;
	v63 =	vld [tilespmem:$0x0]  }
0x71: {  	_ =	swait.ge [sflag:s9], $0x10000  }
0x72: {  	[sflag:s9] =	ssyncset.done $0x0  }
0x73: {  	s23 =	sadd.s32 $0xB0000, s3;
	[sflag:s9] =	ssyncadd.s32 $0xFFFF0000  }
0x74: {  	[hbm4b:s23+s4] =	stream.strided.scatter [tilespmem:s6], [sflag:$0x4], $0x10000, s5, s4, $0x38;
	v63 =	vld [tilespmem:$0x0]  }
0x75: {  	_ =	swait.ge [sflag:s10], $0x10000  }
0x76: {  	[sflag:s10] =	ssyncset.done $0x0  }
0x77: {  	s24 =	sadd.s32 $0xD0400, s0;
	[sflag:s10] =	ssyncadd.s32 $0xFFFF0000  }
0x78: {  	[tilespmem:s6], [sflag:$0x2] =	stream.strided.gather [hbm4b:s24+s4], $0x10000, s5, s4, $0x38;
	v63 =	vld [tilespmem:$0x0]  }
0x79: {  	_ =	swait.ge [sflag:s7], $0x10000  }
0x7a: {  	[sflag:s7] =	ssyncset.done $0x0  }
0x7b: {  	s25 =	sadd.s32 $0xC0000, s3;
	[sflag:s7] =	ssyncadd.s32 $0xFFFF0000  }
0x7c: {  	[hbm4b:s25+s4] =	stream.strided.scatter [tilespmem:s2], [sflag:$0x3], $0x10000, s5, s4, $0x38;
	v63 =	vld [tilespmem:$0x0]  }
0x7d: {  	_ =	swait.ge [sflag:s8], $0x10000  }
0x7e: {  	[sflag:s8] =	ssyncset.done $0x0  }
0x7f: {  	s26 =	sadd.s32 $0xE0400, s0;
	[sflag:s8] =	ssyncadd.s32 $0xFFFF0000  }
0x80: {  	[tilespmem:s2], [sflag:$0x1] =	stream.strided.gather [hbm4b:s26+s4], $0x10000, s5, s4, $0x38;
	v63 =	vld [tilespmem:$0x0]  }
0x81: {  	_ =	swait.ge [sflag:s9], $0x10000  }
0x82: {  	[sflag:s9] =	ssyncset.done $0x0  }
0x83: {  	s28 =	sadd.s32 $0xD0000, s3;
	[sflag:s9] =	ssyncadd.s32 $0xFFFF0000  }
0x84: {  	[hbm4b:s28+s4] =	stream.strided.scatter [tilespmem:s6], [sflag:$0x4], $0x10000, s5, s4, $0x38;
	v63 =	vld [tilespmem:$0x0]  }
0x85: {  	s29 =	sand.u32 $0x380, s29;
	_ =	swait.ge [sflag:s10], $0x10000  }
0x86: {  	s30 =	sor.u32 s30, s29;
	[sflag:s10] =	ssyncset.done $0x0  }
0x87: {  	s29 =	sadd.s32 $0xF0400, s0;
	s12 =	sshrl.u32 s30, $0x3;
	[sflag:s10] =	ssyncadd.s32 $0xFFFF0000  }
0x88: {  	[tilespmem:s6], [sflag:$0x2] =	stream.strided.gather [hbm4b:s29+s4], $0x10000, s5, s4, $0x38;
	v63 =	vld [tilespmem:$0x0]  }
0x89: {  	s30 =	sor.u32 $0xE0000, s12;
	_ =	swait.ge [sflag:s7], $0x10000  }
0x8a: {  	s0 =	sor.u32 $0xF0000, s12;
	s12 =	ssub.s32 $0x2, s1;
	[sflag:s7] =	ssyncset.done $0x0  }
0x8b: {  	s30 =	sadd.s32 s31, s30;
	s1 =	sshrl.u32 s12, $0x1;
	[sflag:s7] =	ssyncadd.s32 $0xFFFF0000  }
0x8c: {  	[hbm4b:s30+s4] =	stream.strided.scatter [tilespmem:s2], [sflag:$0x3], $0x10000, s5, s4, $0x38;
	v63 =	vld [tilespmem:$0x0]  }
0x8d: {  	s31 =	sadd.s32 s31, s0;
	s0 =	ssub.s32 s12, s1;
	_ =	swait.ge [sflag:s9], $0x10000  }
0x8e: {  	s0 =	smax.u32 s0, $0x1;
	[sflag:s9] =	ssyncset.done $0x0  }
0x8f: {  	p0 =	sne.s32 s0, $0x1;
	[sflag:s9] =	ssyncadd.s32 $0xFFFF0000  }
0x90: {  	[hbm4b:s31+s4] =	stream.strided.scatter [tilespmem:s6], [sflag:$0x4], $0x10000, s5, s4, $0x38;
	v63 =	vld [tilespmem:$0x0]  }
.Ltmp0:
0x91: {  	_ =	swait.ge [sflag:s8], $0x10000;
	(pc) =	sbr.rel @!p0 .LBB2_3-.Ltmp0, $4  }
0x92: {  	[sflag:s8] =	ssyncset.done $0x0  }
0x93: {  	[sflag:s8] =	ssyncadd.s32 $0xFFFF0000  }
0x94: {  	_ =	swait.ge [sflag:s10], $0x10000  }
0x95: {  	s1 =	sadd.s32 $0xFFFFFFFF, s0;
	[sflag:s10] =	ssyncset.done $0x0  }
0x96: {  	s12 =	smov.u32 s11;
	s11 =	smov.u32 s3  }
.LBB2_2:
0x97: {  	s0 =	rddreg [dreg:$0x2];
	[sflag:s10] =	ssyncadd.s32 $0xFFFF0000  }
0x98: {  	[tilespmem:s2], [sflag:$0x1] =	stream.strided.gather [hbm4b:s0+s4], $0x10000, s5, s4, $0x38;
	v63 =	vld [tilespmem:$0x0]  }
0x99: {  	s3 =	rddreg [dreg:$0x3]  }
0x9a: {  	[tilespmem:s6], [sflag:$0x2] =	stream.strided.gather [hbm4b:s3+s4], $0x10000, s5, s4, $0x38;
	v63 =	vld [tilespmem:$0x0]  }
0x9b: {  	_ =	swait.ge [sflag:s7], $0x10000  }
0x9c: {  	[sflag:s7] =	ssyncset.done $0x0  }
0x9d: {  	[sflag:s7] =	ssyncadd.s32 $0xFFFF0000  }
0x9e: {  	[hbm4b:s11+s4] =	stream.strided.scatter [tilespmem:s2], [sflag:$0x3], $0x10000, s5, s4, $0x38;
	v63 =	vld [tilespmem:$0x0]  }
0x9f: {  	_ =	swait.ge [sflag:s8], $0x10000  }
0xa0: {  	[sflag:s8] =	ssyncset.done $0x0  }
0xa1: {  	s3 =	rddreg [dreg:$0x4];
	[sflag:s8] =	ssyncadd.s32 $0xFFFF0000  }
0xa2: {  	[tilespmem:s2], [sflag:$0x1] =	stream.strided.gather [hbm4b:s3+s4], $0x10000, s5, s4, $0x38;
	v63 =	vld [tilespmem:$0x0]  }
0xa3: {  	_ =	swait.ge [sflag:s9], $0x10000  }
0xa4: {  	[sflag:s9] =	ssyncset.done $0x0  }
0xa5: {  	s3 =	rddreg [dreg:$0x5];
	[sflag:s9] =	ssyncadd.s32 $0xFFFF0000  }
0xa6: {  	[hbm4b:s3+s4] =	stream.strided.scatter [tilespmem:s6], [sflag:$0x4], $0x10000, s5, s4, $0x38;
	v63 =	vld [tilespmem:$0x0]  }
0xa7: {  	_ =	swait.ge [sflag:s10], $0x10000  }
0xa8: {  	[sflag:s10] =	ssyncset.done $0x0  }
0xa9: {  	s3 =	rddreg [dreg:$0x6];
	[sflag:s10] =	ssyncadd.s32 $0xFFFF0000  }
0xaa: {  	[tilespmem:s6], [sflag:$0x2] =	stream.strided.gather [hbm4b:s3+s4], $0x10000, s5, s4, $0x38;
	v63 =	vld [tilespmem:$0x0]  }
0xab: {  	_ =	swait.ge [sflag:s7], $0x10000  }
0xac: {  	[sflag:s7] =	ssyncset.done $0x0  }
0xad: {  	s3 =	rddreg [dreg:$0x7];
	[sflag:s7] =	ssyncadd.s32 $0xFFFF0000  }
0xae: {  	[hbm4b:s3+s4] =	stream.strided.scatter [tilespmem:s2], [sflag:$0x3], $0x10000, s5, s4, $0x38;
	v63 =	vld [tilespmem:$0x0]  }
0xaf: {  	_ =	swait.ge [sflag:s8], $0x10000  }
0xb0: {  	[sflag:s8] =	ssyncset.done $0x0  }
0xb1: {  	s3 =	rddreg [dreg:$0x8];
	[sflag:s8] =	ssyncadd.s32 $0xFFFF0000  }
0xb2: {  	[tilespmem:s2], [sflag:$0x1] =	stream.strided.gather [hbm4b:s3+s4], $0x10000, s5, s4, $0x38;
	v63 =	vld [tilespmem:$0x0]  }
0xb3: {  	_ =	swait.ge [sflag:s9], $0x10000  }
0xb4: {  	[sflag:s9] =	ssyncset.done $0x0  }
0xb5: {  	s3 =	rddreg [dreg:$0x9];
	[sflag:s9] =	ssyncadd.s32 $0xFFFF0000  }
0xb6: {  	[hbm4b:s3+s4] =	stream.strided.scatter [tilespmem:s6], [sflag:$0x4], $0x10000, s5, s4, $0x38;
	v63 =	vld [tilespmem:$0x0]  }
0xb7: {  	_ =	swait.ge [sflag:s10], $0x10000  }
0xb8: {  	[sflag:s10] =	ssyncset.done $0x0  }
0xb9: {  	s3 =	rddreg [dreg:$0xa];
	[sflag:s10] =	ssyncadd.s32 $0xFFFF0000  }
0xba: {  	[tilespmem:s6], [sflag:$0x2] =	stream.strided.gather [hbm4b:s3+s4], $0x10000, s5, s4, $0x38;
	v63 =	vld [tilespmem:$0x0]  }
0xbb: {  	_ =	swait.ge [sflag:s7], $0x10000  }
0xbc: {  	[sflag:s7] =	ssyncset.done $0x0  }
0xbd: {  	s3 =	rddreg [dreg:$0xb];
	[sflag:s7] =	ssyncadd.s32 $0xFFFF0000  }
0xbe: {  	[hbm4b:s3+s4] =	stream.strided.scatter [tilespmem:s2], [sflag:$0x3], $0x10000, s5, s4, $0x38;
	v63 =	vld [tilespmem:$0x0]  }
0xbf: {  	_ =	swait.ge [sflag:s8], $0x10000  }
0xc0: {  	[sflag:s8] =	ssyncset.done $0x0  }
0xc1: {  	s3 =	rddreg [dreg:$0xc];
	[sflag:s8] =	ssyncadd.s32 $0xFFFF0000  }
0xc2: {  	[tilespmem:s2], [sflag:$0x1] =	stream.strided.gather [hbm4b:s3+s4], $0x10000, s5, s4, $0x38;
	v63 =	vld [tilespmem:$0x0]  }
0xc3: {  	_ =	swait.ge [sflag:s9], $0x10000  }
0xc4: {  	[sflag:s9] =	ssyncset.done $0x0  }
0xc5: {  	s3 =	rddreg [dreg:$0xd];
	[sflag:s9] =	ssyncadd.s32 $0xFFFF0000  }
0xc6: {  	[hbm4b:s3+s4] =	stream.strided.scatter [tilespmem:s6], [sflag:$0x4], $0x10000, s5, s4, $0x38;
	v63 =	vld [tilespmem:$0x0]  }
0xc7: {  	_ =	swait.ge [sflag:s10], $0x10000  }
0xc8: {  	[sflag:s10] =	ssyncset.done $0x0  }
0xc9: {  	[sflag:s10] =	ssyncadd.s32 $0xFFFF0000  }
0xca: {  	[tilespmem:s6], [sflag:$0x2] =	stream.strided.gather [hbm4b:s12+s4], $0x10000, s5, s4, $0x38;
	v63 =	vld [tilespmem:$0x0]  }
0xcb: {  	_ =	swait.ge [sflag:s7], $0x10000  }
0xcc: {  	[sflag:s7] =	ssyncset.done $0x0  }
0xcd: {  	[sflag:s7] =	ssyncadd.s32 $0xFFFF0000  }
0xce: {  	[hbm4b:s13+s4] =	stream.strided.scatter [tilespmem:s2], [sflag:$0x3], $0x10000, s5, s4, $0x38;
	v63 =	vld [tilespmem:$0x0]  }
0xcf: {  	_ =	swait.ge [sflag:s8], $0x10000  }
0xd0: {  	[sflag:s8] =	ssyncset.done $0x0  }
0xd1: {  	[sflag:s8] =	ssyncadd.s32 $0xFFFF0000  }
0xd2: {  	[tilespmem:s2], [sflag:$0x1] =	stream.strided.gather [hbm4b:s14+s4], $0x10000, s5, s4, $0x38;
	v63 =	vld [tilespmem:$0x0]  }
0xd3: {  	_ =	swait.ge [sflag:s9], $0x10000  }
0xd4: {  	[sflag:s9] =	ssyncset.done $0x0  }
0xd5: {  	[sflag:s9] =	ssyncadd.s32 $0xFFFF0000  }
0xd6: {  	[hbm4b:s15+s4] =	stream.strided.scatter [tilespmem:s6], [sflag:$0x4], $0x10000, s5, s4, $0x38;
	v63 =	vld [tilespmem:$0x0]  }
0xd7: {  	_ =	swait.ge [sflag:s10], $0x10000  }
0xd8: {  	[sflag:s10] =	ssyncset.done $0x0  }
0xd9: {  	[sflag:s10] =	ssyncadd.s32 $0xFFFF0000  }
0xda: {  	[tilespmem:s6], [sflag:$0x2] =	stream.strided.gather [hbm4b:s16+s4], $0x10000, s5, s4, $0x38;
	v63 =	vld [tilespmem:$0x0]  }
0xdb: {  	_ =	swait.ge [sflag:s7], $0x10000  }
0xdc: {  	[sflag:s7] =	ssyncset.done $0x0  }
0xdd: {  	[sflag:s7] =	ssyncadd.s32 $0xFFFF0000  }
0xde: {  	[hbm4b:s17+s4] =	stream.strided.scatter [tilespmem:s2], [sflag:$0x3], $0x10000, s5, s4, $0x38;
	v63 =	vld [tilespmem:$0x0]  }
0xdf: {  	_ =	swait.ge [sflag:s8], $0x10000  }
0xe0: {  	[sflag:s8] =	ssyncset.done $0x0  }
0xe1: {  	[sflag:s8] =	ssyncadd.s32 $0xFFFF0000  }
0xe2: {  	[tilespmem:s2], [sflag:$0x1] =	stream.strided.gather [hbm4b:s18+s4], $0x10000, s5, s4, $0x38;
	v63 =	vld [tilespmem:$0x0]  }
0xe3: {  	_ =	swait.ge [sflag:s9], $0x10000  }
0xe4: {  	[sflag:s9] =	ssyncset.done $0x0  }
0xe5: {  	[sflag:s9] =	ssyncadd.s32 $0xFFFF0000  }
0xe6: {  	[hbm4b:s19+s4] =	stream.strided.scatter [tilespmem:s6], [sflag:$0x4], $0x10000, s5, s4, $0x38;
	v63 =	vld [tilespmem:$0x0]  }
0xe7: {  	_ =	swait.ge [sflag:s10], $0x10000  }
0xe8: {  	[sflag:s10] =	ssyncset.done $0x0  }
0xe9: {  	[sflag:s10] =	ssyncadd.s32 $0xFFFF0000  }
0xea: {  	[tilespmem:s6], [sflag:$0x2] =	stream.strided.gather [hbm4b:s20+s4], $0x10000, s5, s4, $0x38;
	v63 =	vld [tilespmem:$0x0]  }
0xeb: {  	_ =	swait.ge [sflag:s7], $0x10000  }
0xec: {  	[sflag:s7] =	ssyncset.done $0x0  }
0xed: {  	[sflag:s7] =	ssyncadd.s32 $0xFFFF0000  }
0xee: {  	[hbm4b:s21+s4] =	stream.strided.scatter [tilespmem:s2], [sflag:$0x3], $0x10000, s5, s4, $0x38;
	v63 =	vld [tilespmem:$0x0]  }
0xef: {  	_ =	swait.ge [sflag:s8], $0x10000  }
0xf0: {  	[sflag:s8] =	ssyncset.done $0x0  }
0xf1: {  	[sflag:s8] =	ssyncadd.s32 $0xFFFF0000  }
0xf2: {  	[tilespmem:s2], [sflag:$0x1] =	stream.strided.gather [hbm4b:s22+s4], $0x10000, s5, s4, $0x38;
	v63 =	vld [tilespmem:$0x0]  }
0xf3: {  	_ =	swait.ge [sflag:s9], $0x10000  }
0xf4: {  	[sflag:s9] =	ssyncset.done $0x0  }
0xf5: {  	[sflag:s9] =	ssyncadd.s32 $0xFFFF0000  }
0xf6: {  	[hbm4b:s23+s4] =	stream.strided.scatter [tilespmem:s6], [sflag:$0x4], $0x10000, s5, s4, $0x38;
	v63 =	vld [tilespmem:$0x0]  }
0xf7: {  	_ =	swait.ge [sflag:s10], $0x10000  }
0xf8: {  	[sflag:s10] =	ssyncset.done $0x0  }
0xf9: {  	[sflag:s10] =	ssyncadd.s32 $0xFFFF0000  }
0xfa: {  	[tilespmem:s6], [sflag:$0x2] =	stream.strided.gather [hbm4b:s24+s4], $0x10000, s5, s4, $0x38;
	v63 =	vld [tilespmem:$0x0]  }
0xfb: {  	_ =	swait.ge [sflag:s7], $0x10000  }
0xfc: {  	[sflag:s7] =	ssyncset.done $0x0  }
0xfd: {  	[sflag:s7] =	ssyncadd.s32 $0xFFFF0000  }
0xfe: {  	[hbm4b:s25+s4] =	stream.strided.scatter [tilespmem:s2], [sflag:$0x3], $0x10000, s5, s4, $0x38;
	v63 =	vld [tilespmem:$0x0]  }
0xff: {  	_ =	swait.ge [sflag:s8], $0x10000  }
0x100: {  	[sflag:s8] =	ssyncset.done $0x0  }
0x101: {  	[sflag:s8] =	ssyncadd.s32 $0xFFFF0000  }
0x102: {  	[tilespmem:s2], [sflag:$0x1] =	stream.strided.gather [hbm4b:s26+s4], $0x10000, s5, s4, $0x38;
	v63 =	vld [tilespmem:$0x0]  }
0x103: {  	_ =	swait.ge [sflag:s9], $0x10000  }
0x104: {  	[sflag:s9] =	ssyncset.done $0x0  }
0x105: {  	[sflag:s9] =	ssyncadd.s32 $0xFFFF0000  }
0x106: {  	[hbm4b:s28+s4] =	stream.strided.scatter [tilespmem:s6], [sflag:$0x4], $0x10000, s5, s4, $0x38;
	v63 =	vld [tilespmem:$0x0]  }
0x107: {  	_ =	swait.ge [sflag:s10], $0x10000  }
0x108: {  	[sflag:s10] =	ssyncset.done $0x0  }
0x109: {  	[sflag:s10] =	ssyncadd.s32 $0xFFFF0000  }
0x10a: {  	[tilespmem:s6], [sflag:$0x2] =	stream.strided.gather [hbm4b:s29+s4], $0x10000, s5, s4, $0x38;
	v63 =	vld [tilespmem:$0x0]  }
0x10b: {  	_ =	swait.ge [sflag:s7], $0x10000  }
0x10c: {  	[sflag:s7] =	ssyncset.done $0x0  }
0x10d: {  	[sflag:s7] =	ssyncadd.s32 $0xFFFF0000  }
0x10e: {  	[hbm4b:s30+s4] =	stream.strided.scatter [tilespmem:s2], [sflag:$0x3], $0x10000, s5, s4, $0x38;
	v63 =	vld [tilespmem:$0x0]  }
0x10f: {  	_ =	swait.ge [sflag:s9], $0x10000  }
0x110: {  	[sflag:s9] =	ssyncset.done $0x0  }
0x111: {  	p0 =	sne.s32 s1, $0x1;
	[sflag:s9] =	ssyncadd.s32 $0xFFFF0000  }
0x112: {  	[hbm4b:s31+s4] =	stream.strided.scatter [tilespmem:s6], [sflag:$0x4], $0x10000, s5, s4, $0x38;
	v63 =	vld [tilespmem:$0x0]  }
.Ltmp1:
0x113: {  	_ =	swait.ge [sflag:s8], $0x10000;
	(pc) =	sbr.rel @p0 .LBB2_2-.Ltmp1, $4  }
0x114: {  	[sflag:s8] =	ssyncset.done $0x0  }
0x115: {  	[sflag:s8] =	ssyncadd.s32 $0xFFFF0000  }
0x116: {  	_ =	swait.ge [sflag:s10], $0x10000  }
0x117: {  	s1 =	sadd.s32 $0xFFFFFFFF, s1;
	[sflag:s10] =	ssyncset.done $0x0  }
.LBB2_3:
0x118: {  	[sflag:s10] =	ssyncadd.s32 $0xFFFF0000  }
0x119: {  	_ =	sfence.sel $0x180000  }
0x11a: {  	[bflag:$0x0] =	sbarrier.arrive $0xFFFF  }
0x11b: {  	_ =	strace $0x90000047  }
0x11c: {  	s0 =	stileid.u32;
	[bflag:$0x2] =	sbarrier.arrive $0xFFFF  }
0x11d: {  	p0 =	sne.s32 s0, $0x0;
	s0 =	rddreg [dreg:$0x1]  }
0x11e: {  	s0 =	sadd.s32 @!p0 $0x100000, s0  }
0x11f: {  	[sflag:s0] =	ssyncadd.tile.s32 @!p0 $0x1;
	_ =	shalt  }
.Lfunc_end2:
_tile_overlayer_lowered:
.L_overlay_start_2:
0x120: {  	(tag) =	ssettag $0x2  }
0x121: {  	s0 =	rddreg [dreg:$0x0];
	s2 =	stileid.u32  }
0x122: {  	s1 =	rddreg [dreg:$0x1];
	p0 =	sne.s32 s2, $0x0  }
0x123: {  	s3 =	rddreg [dreg:$0x2];
	[bflag:$0x3] =	sbarrier.arrive $0xFFFF;
	s2 =	simm.s32 @!p0 $0x1C05  }
0x124: {  	[timem:s3], [sflag:s2] =	dma.local @!p0 [hbm:s0], s1  }
0x125: {  	s0 =	simm.s32 @!p0 $0x5  }
0x126: {  	_ =	swait.ge @!p0 [sflag:s0], s1  }
0x127: {  	s1 =	ssub.s32 @!p0 $0x0, s1;
	[sflag:s0] =	ssyncset.done @!p0 $0x0  }
0x128: {  	[sflag:s0] =	ssyncadd.s32 @!p0 s1  }
0x129: {  	[bflag:$0x3] =	sbarrier.arrive $0xFFFF  }
0x12a: {  	_ =	shalt  }

</sc_bundles>
